<compile_context>
chip_gen: v7x
topology: tpu7x:2x2x1
jax: 0.10.2.dev20260603
libtpu: 0.0.44.dev20260713+nightly
codegen_flags: <defaults>
</compile_context>

<pallas_src>
import functools

import jax
import jax.numpy as jnp
from jax import lax
from jax.experimental import pallas as pl
from jax.experimental.pallas import tpu as pltpu
from jax.experimental.pallas import tpu_sc as plsc

BATCH = 4
N_NODE = 2048
STATE_DIM = 256
NNZ = 32768
EPS = 1e-8

NC = 2
NS = 16
L = 16

CHUNK_ROWS = 512
N_CHUNKS = N_NODE // CHUNK_ROWS
N_TASKS = BATCH * N_CHUNKS
TASKS_PER_CORE = N_TASKS // NC
PAIRS_PER_TILE = NNZ // NS
GROUPS_PER_TILE = PAIRS_PER_TILE // L
ACC_WORDS = CHUNK_ROWS * N_NODE
STRIPE_WORDS = ACC_WORDS // NS
DUM_WORDS = NS * 128
ZBUF_WORDS = 16384


def _sc_cnt_kernel(rows_hbm, cols_hbm, zeros_hbm, cnt_hbm, acc_sh, rows_v,
                   cols_v, addr_v, ones_v, zbuf_v):
    c = lax.axis_index("c")
    s = lax.axis_index("s")
    lane = lax.iota(jnp.int32, L)

    pltpu.sync_copy(zeros_hbm, zbuf_v)
    for g in range(128 // L):
        ones_v[pl.ds(g * L, L)] = jnp.full((L,), 1.0, jnp.float32)

    def task_body(t, carry):
        task = c + NC * t
        b = task // N_CHUNKS
        q = task % N_CHUNKS
        r0 = q * CHUNK_ROWS

        for z in range(STRIPE_WORDS // ZBUF_WORDS):
            pltpu.sync_copy(
                zbuf_v, acc_sh.at[pl.ds(s * STRIPE_WORDS + z * ZBUF_WORDS,
                                        ZBUF_WORDS)])
        pltpu.sync_copy(zbuf_v.at[pl.ds(0, 128)],
                        acc_sh.at[pl.ds(ACC_WORDS + s * 128, 128)])

        pltpu.sync_copy(rows_hbm.at[b, pl.ds(s * PAIRS_PER_TILE,
                                             PAIRS_PER_TILE)], rows_v)
        pltpu.sync_copy(cols_hbm.at[b, pl.ds(s * PAIRS_PER_TILE,
                                             PAIRS_PER_TILE)], cols_v)
        plsc.subcore_barrier()

        dum_base = ACC_WORDS + s * 128

        def group_body(g, carry2):
            i = rows_v[pl.ds(g * L, L)]
            j = cols_v[pl.ds(g * L, L)]
            dum = dum_base + (g % 8) * L + lane
            in1 = (i >= r0) & (i < r0 + CHUNK_ROWS)
            a1 = jnp.where(in1, (i - r0) * N_NODE + j, dum)
            in2 = (j >= r0) & (j < r0 + CHUNK_ROWS)
            a2 = jnp.where(in2, (j - r0) * N_NODE + i, dum)
            row = g // 4
            col = (g % 4) * 2 * L
            addr_v[row, pl.ds(col, L)] = a1
            addr_v[row, pl.ds(col + L, L)] = a2
            return carry2

        lax.fori_loop(0, GROUPS_PER_TILE, group_body, 0)

        def scat_body(k, carry2):
            pltpu.sync_copy(ones_v, acc_sh.at[addr_v.at[k]], add=True)
            return carry2

        lax.fori_loop(0, GROUPS_PER_TILE // 4, scat_body, 0)
        plsc.subcore_barrier()

        pltpu.sync_copy(
            acc_sh.at[pl.ds(s * STRIPE_WORDS, STRIPE_WORDS)],
            cnt_hbm.at[b, pl.ds(r0 * N_NODE + s * STRIPE_WORDS,
                                STRIPE_WORDS)])
        plsc.subcore_barrier()
        return carry

    lax.fori_loop(0, TASKS_PER_CORE, task_body, 0)


def _sc_cnt(rows, cols):
    zeros = jnp.zeros((ZBUF_WORDS,), jnp.float32)
    mesh = plsc.VectorSubcoreMesh(core_axis_name="c", subcore_axis_name="s")
    f = pl.kernel(
        _sc_cnt_kernel,
        out_type=jax.ShapeDtypeStruct((BATCH, N_NODE * N_NODE), jnp.float32),
        mesh=mesh,
        scratch_types=[
            pltpu.VMEM_SHARED((ACC_WORDS + DUM_WORDS,), jnp.float32),
            pltpu.VMEM((PAIRS_PER_TILE,), jnp.int32),
            pltpu.VMEM((PAIRS_PER_TILE,), jnp.int32),
            pltpu.VMEM((GROUPS_PER_TILE // 4, 128), jnp.int32),
            pltpu.VMEM((128,), jnp.float32),
            pltpu.VMEM((ZBUF_WORDS,), jnp.float32),
        ],
    )
    return f(rows, cols, zeros)


def _norm_kernel(x_ref, o_ref):
    x = x_ref[...]
    n = jnp.sqrt(jnp.sum(x * x, axis=1, keepdims=True))
    o_ref[...] = x / jnp.maximum(n, EPS)


def _normalize(ps2):
    rows = ps2.shape[0]
    blk = 1024
    return pl.pallas_call(
        _norm_kernel,
        grid=(rows // blk,),
        in_specs=[pl.BlockSpec((blk, STATE_DIM), lambda i: (i, 0))],
        out_specs=pl.BlockSpec((blk, STATE_DIM), lambda i: (i, 0)),
        out_shape=jax.ShapeDtypeStruct(ps2.shape, jnp.float32),
    )(ps2)


def _mm_kernel(a_ref, b_ref, cnt_ref, o_ref):
    a = a_ref[0]
    bm = b_ref[0]
    s = lax.dot_general(a, bm, (((1,), (1,)), ((), ())),
                        preferred_element_type=jnp.float32,
                        precision=lax.Precision.HIGHEST)
    sig = 1.0 / (1.0 + jnp.exp(-s))
    o_ref[0] = cnt_ref[0] * sig


def _mm_sig_mul(ps_norm, cnt):
    rb = 256
    grid = (BATCH, N_NODE // rb)
    return pl.pallas_call(
        _mm_kernel,
        grid=grid,
        in_specs=[
            pl.BlockSpec((1, rb, STATE_DIM), lambda b, i: (b, i, 0)),
            pl.BlockSpec((1, N_NODE, STATE_DIM), lambda b, i: (b, 0, 0)),
            pl.BlockSpec((1, rb, N_NODE), lambda b, i: (b, i, 0)),
        ],
        out_specs=pl.BlockSpec((1, rb, N_NODE), lambda b, i: (b, i, 0)),
        out_shape=jax.ShapeDtypeStruct((BATCH, N_NODE, N_NODE), jnp.float32),
    )(ps_norm, ps_norm, cnt)


def kernel(prop_state, indic, mask):
    del indic
    rows = mask[:, :, 0].astype(jnp.int32)
    cols = mask[:, :, 1].astype(jnp.int32)
    ps2 = prop_state.reshape(BATCH * N_NODE, STATE_DIM)
    ps_norm = _normalize(ps2).reshape(BATCH, N_NODE, STATE_DIM)
    cnt = _sc_cnt(rows, cols).reshape(BATCH, N_NODE, N_NODE)
    return _mm_sig_mul(ps_norm, cnt)

# --- scband reference (transcript-rebuilt; emitter-appended) ---
"""Pipeline reference for scband-cossimmlp-44023414784013 (READ-ONLY COPY).

The authoritative reference and input builder live on the scoring server;
editing this copy changes nothing except your own understanding.
"""

import jax, jax.numpy as jnp
import numpy as np

BATCH = 4
N_NODE = 2048  # all_node_num + n_expanded (global in original code)
STATE_DIM = 256
NNZ = 32768
N_INDIC = 1024
EPS = 1e-8


def setup_inputs(seed: int = 0) -> dict:
    key = jax.random.key(seed)
    k1, k2, k3 = jax.random.split(key, 3)
    prop_state = jax.random.normal(k1, (BATCH, N_NODE, STATE_DIM), dtype=jnp.float32)
    indic = jax.random.randint(k2, (BATCH, N_INDIC, 2), 0, N_NODE, dtype=jnp.int64)
    mask = jax.random.randint(k3, (BATCH, NNZ, 2), 0, N_NODE, dtype=jnp.int64)
    return {"prop_state": prop_state, "indic": indic, "mask": mask}


def _batch_forward(ps_b, mask_b):
    # ps_b: (N_NODE, STATE_DIM); mask_b: (NNZ, 2)
    a = jnp.take(ps_b, mask_b[:, 0], axis=0)  # (NNZ, D) gather
    b = jnp.take(ps_b, mask_b[:, 1], axis=0)  # (NNZ, D) gather
    # sim_matrix: per-vector L2 norm (norm(dim=0) of a (D,) vector == full norm)
    a_n = jnp.linalg.norm(a, axis=1)
    b_n = jnp.linalg.norm(b, axis=1)
    a_norm = a / jnp.maximum(a_n, EPS)[:, None]
    b_norm = b / jnp.maximum(b_n, EPS)[:, None]
    sim = jnp.sum(a_norm * b_norm, axis=1)  # (NNZ,)
    v = jax.nn.sigmoid(sim)  # self.out = nn.Sequential(nn.Sigmoid())
    # torch.sparse.FloatTensor with both (i,j) and (j,i) entries; duplicates
    # accumulate when the sparse tensor is coalesced/densified -> scatter-add
    rows = jnp.concatenate([mask_b[:, 0], mask_b[:, 1]])
    cols = jnp.concatenate([mask_b[:, 1], mask_b[:, 0]])
    vals = jnp.concatenate([v, v])
    dense = jnp.zeros((N_NODE, N_NODE), dtype=jnp.float32).at[rows, cols].add(vals)
    return dense


def reference(prop_state, indic, mask):
    # indic is unused in the executed path of the original forward
    outs = []
    for batch in range(BATCH):
        outs.append(_batch_forward(prop_state[batch], mask[batch]))
    return jnp.stack(outs, axis=0)  # (BATCH, N_NODE, N_NODE)

if __name__ == "__main__":
    import jax
    _d = setup_inputs()
    print(jax.jit(kernel)(*tuple(_d.values())))

</pallas_src>

<mosaic_0001>
#map = affine_map<(d0, d1) -> (0, 0)>
#map1 = affine_map<(d0, d1) -> (0)>
module attributes {stable_mosaic.version = 14 : i64} {
  func.func @_sc_cnt_kernel(%arg0: i32, %arg1: i32, %arg2: memref<4x32768xi32, #tpu.memory_space<hbm>>, %arg3: memref<4x32768xi32, #tpu.memory_space<hbm>>, %arg4: memref<16384xf32, #tpu.memory_space<hbm>>, %arg5: memref<4x4194304xf32, #tpu.memory_space<hbm>>, %arg6: memref<1050624xf32, #tpu.memory_space<vmem_shared>>, %arg7: memref<2048xi32, #tpu.memory_space<vmem>>, %arg8: memref<2048xi32, #tpu.memory_space<vmem>>, %arg9: memref<32x128xi32, #tpu.memory_space<vmem>>, %arg10: memref<128xf32, #tpu.memory_space<vmem>>, %arg11: memref<16384xf32, #tpu.memory_space<vmem>>) attributes {dimension_semantics = [#tpu.dimension_semantics<core_parallel>, #tpu.dimension_semantics<subcore_parallel>], iteration_bounds = array<i64: 2, 16>, scalar_prefetch = 0 : i64, scratch_operands = 6 : i64, tpu.core_type = #tpu.core_type<sc_vector_subcore>, window_params = [{transform_indices = #map}, {transform_indices = #map}, {transform_indices = #map1}, {transform_indices = #map}]} {
    %iota3A = tpu.iota {dimensions = array<i32: 0>} : vector<16xi32>
    "tpu.region"() ({
      %run_scoped3A = tpu.sem_alloc : memref<!tpu.dma_semaphore, #tpu.memory_space<semaphore_mem>>
      tpu.enqueue_dma source(%arg4 : memref<16384xf32, #tpu.memory_space<hbm>>) target(%arg11 : memref<16384xf32, #tpu.memory_space<vmem>>) target_semaphore(%run_scoped3A : memref<!tpu.dma_semaphore, #tpu.memory_space<semaphore_mem>>)
      tpu.wait_dma2 semaphore(%run_scoped3A : memref<!tpu.dma_semaphore, #tpu.memory_space<semaphore_mem>>) src(%arg4 : memref<16384xf32, #tpu.memory_space<hbm>>) dst(%arg11 : memref<16384xf32, #tpu.memory_space<vmem>>)
      tpu.yield
    }) : () -> ()
    %broadcast_in_dim3A = arith.constant 1.000000e+00 : f32
    %broadcast_in_dim3A_0 = vector.broadcast %broadcast_in_dim3A : f32 to vector<16xf32>
    %swap3A = arith.constant 0 : index
    %swap3A_1 = tpu.vector_load %arg10[%swap3A] {strides = array<i32>} : memref<128xf32, #tpu.memory_space<vmem>>, vector<16xf32>,
    %swap3A_2 = vector.shape_cast %swap3A_1 : vector<16xf32> to vector<16xf32>
    %swap3A_3 = vector.shape_cast %broadcast_in_dim3A_0 : vector<16xf32> to vector<16xf32>
    tpu.vector_store %arg10[%swap3A], %swap3A_3 {strides = array<i32>} : memref<128xf32, #tpu.memory_space<vmem>>, vector<16xf32>,
    %broadcast_in_dim3A_4 = arith.constant 1.000000e+00 : f32
    %broadcast_in_dim3A_5 = vector.broadcast %broadcast_in_dim3A_4 : f32 to vector<16xf32>
    %swap3A_6 = arith.constant 16 : index
    %swap3A_7 = tpu.vector_load %arg10[%swap3A_6] {strides = array<i32>} : memref<128xf32, #tpu.memory_space<vmem>>, vector<16xf32>,
    %swap3A_8 = vector.shape_cast %swap3A_7 : vector<16xf32> to vector<16xf32>
    %swap3A_9 = vector.shape_cast %broadcast_in_dim3A_5 : vector<16xf32> to vector<16xf32>
    tpu.vector_store %arg10[%swap3A_6], %swap3A_9 {strides = array<i32>} : memref<128xf32, #tpu.memory_space<vmem>>, vector<16xf32>,
    %broadcast_in_dim3A_10 = arith.constant 1.000000e+00 : f32
    %broadcast_in_dim3A_11 = vector.broadcast %broadcast_in_dim3A_10 : f32 to vector<16xf32>
    %swap3A_12 = arith.constant 32 : index
    %swap3A_13 = tpu.vector_load %arg10[%swap3A_12] {strides = array<i32>} : memref<128xf32, #tpu.memory_space<vmem>>, vector<16xf32>,
    %swap3A_14 = vector.shape_cast %swap3A_13 : vector<16xf32> to vector<16xf32>
    %swap3A_15 = vector.shape_cast %broadcast_in_dim3A_11 : vector<16xf32> to vector<16xf32>
    tpu.vector_store %arg10[%swap3A_12], %swap3A_15 {strides = array<i32>} : memref<128xf32, #tpu.memory_space<vmem>>, vector<16xf32>,
    %broadcast_in_dim3A_16 = arith.constant 1.000000e+00 : f32
    %broadcast_in_dim3A_17 = vector.broadcast %broadcast_in_dim3A_16 : f32 to vector<16xf32>
    %swap3A_18 = arith.constant 48 : index
    %swap3A_19 = tpu.vector_load %arg10[%swap3A_18] {strides = array<i32>} : memref<128xf32, #tpu.memory_space<vmem>>, vector<16xf32>,
    %swap3A_20 = vector.shape_cast %swap3A_19 : vector<16xf32> to vector<16xf32>
    %swap3A_21 = vector.shape_cast %broadcast_in_dim3A_17 : vector<16xf32> to vector<16xf32>
    tpu.vector_store %arg10[%swap3A_18], %swap3A_21 {strides = array<i32>} : memref<128xf32, #tpu.memory_space<vmem>>, vector<16xf32>,
    %broadcast_in_dim3A_22 = arith.constant 1.000000e+00 : f32
    %broadcast_in_dim3A_23 = vector.broadcast %broadcast_in_dim3A_22 : f32 to vector<16xf32>
    %swap3A_24 = arith.constant 64 : index
    %swap3A_25 = tpu.vector_load %arg10[%swap3A_24] {strides = array<i32>} : memref<128xf32, #tpu.memory_space<vmem>>, vector<16xf32>,
    %swap3A_26 = vector.shape_cast %swap3A_25 : vector<16xf32> to vector<16xf32>
    %swap3A_27 = vector.shape_cast %broadcast_in_dim3A_23 : vector<16xf32> to vector<16xf32>
    tpu.vector_store %arg10[%swap3A_24], %swap3A_27 {strides = array<i32>} : memref<128xf32, #tpu.memory_space<vmem>>, vector<16xf32>,
    %broadcast_in_dim3A_28 = arith.constant 1.000000e+00 : f32
    %broadcast_in_dim3A_29 = vector.broadcast %broadcast_in_dim3A_28 : f32 to vector<16xf32>
    %swap3A_30 = arith.constant 80 : index
    %swap3A_31 = tpu.vector_load %arg10[%swap3A_30] {strides = array<i32>} : memref<128xf32, #tpu.memory_space<vmem>>, vector<16xf32>,
    %swap3A_32 = vector.shape_cast %swap3A_31 : vector<16xf32> to vector<16xf32>
    %swap3A_33 = vector.shape_cast %broadcast_in_dim3A_29 : vector<16xf32> to vector<16xf32>
    tpu.vector_store %arg10[%swap3A_30], %swap3A_33 {strides = array<i32>} : memref<128xf32, #tpu.memory_space<vmem>>, vector<16xf32>,
    %broadcast_in_dim3A_34 = arith.constant 1.000000e+00 : f32
    %broadcast_in_dim3A_35 = vector.broadcast %broadcast_in_dim3A_34 : f32 to vector<16xf32>
    %swap3A_36 = arith.constant 96 : index
    %swap3A_37 = tpu.vector_load %arg10[%swap3A_36] {strides = array<i32>} : memref<128xf32, #tpu.memory_space<vmem>>, vector<16xf32>,
    %swap3A_38 = vector.shape_cast %swap3A_37 : vector<16xf32> to vector<16xf32>
    %swap3A_39 = vector.shape_cast %broadcast_in_dim3A_35 : vector<16xf32> to vector<16xf32>
    tpu.vector_store %arg10[%swap3A_36], %swap3A_39 {strides = array<i32>} : memref<128xf32, #tpu.memory_space<vmem>>, vector<16xf32>,
    %broadcast_in_dim3A_40 = arith.constant 1.000000e+00 : f32
    %broadcast_in_dim3A_41 = vector.broadcast %broadcast_in_dim3A_40 : f32 to vector<16xf32>
    %swap3A_42 = arith.constant 112 : index
    %swap3A_43 = tpu.vector_load %arg10[%swap3A_42] {strides = array<i32>} : memref<128xf32, #tpu.memory_space<vmem>>, vector<16xf32>,
    %swap3A_44 = vector.shape_cast %swap3A_43 : vector<16xf32> to vector<16xf32>
    %swap3A_45 = vector.shape_cast %broadcast_in_dim3A_41 : vector<16xf32> to vector<16xf32>
    tpu.vector_store %arg10[%swap3A_42], %swap3A_45 {strides = array<i32>} : memref<128xf32, #tpu.memory_space<vmem>>, vector<16xf32>,
    %scan3A = arith.constant 0 : i32
    %scan3A_46 = arith.constant 0 : i32
    %scan3A_47 = arith.constant 8 : i32
    %scan3A_48 = arith.addi %scan3A_46, %scan3A_47 : i32
    %scan3A_49 = arith.constant 1 : i32
    scf.for %scan3A_51 = %scan3A_46 to %scan3A_48 step %scan3A_49  : i32 {
      %mul3A = arith.constant 2 : i32
      %mul3A_52 = arith.muli %mul3A, %scan3A_51 : i32
      %add3A = arith.addi %arg0, %mul3A_52 : i32
      %jit3A = arith.constant 4 : i32
      %div3A = arith.divsi %add3A, %jit3A : i32
      %sign3A = arith.constant 0 : i32
      %sign3A_53 = arith.cmpi sgt, %add3A, %sign3A : i32
      %sign3A_54 = arith.extui %sign3A_53 : i1 to i32
      %sign3A_55 = arith.constant 0 : i32
      %sign3A_56 = arith.cmpi slt, %add3A, %sign3A_55 : i32
      %sign3A_57 = arith.extui %sign3A_56 : i1 to i32
      %sign3A_58 = arith.subi %sign3A_54, %sign3A_57 : i32
      %sign3A_59 = arith.constant 0 : i32
      %sign3A_60 = arith.cmpi sgt, %jit3A, %sign3A_59 : i32
      %sign3A_61 = arith.extui %sign3A_60 : i1 to i32
      %sign3A_62 = arith.constant 0 : i32
      %sign3A_63 = arith.cmpi slt, %jit3A, %sign3A_62 : i32
      %sign3A_64 = arith.extui %sign3A_63 : i1 to i32
      %sign3A_65 = arith.subi %sign3A_61, %sign3A_64 : i32
      %ne3A = arith.cmpi ne, %sign3A_58, %sign3A_65 : i32
      %rem3A = arith.remsi %add3A, %jit3A : i32
      %ne3A_66 = arith.constant 0 : i32
      %ne3A_67 = arith.cmpi ne, %rem3A, %ne3A_66 : i32
      %and3A = arith.andi %ne3A, %ne3A_67 : i1
      %sub3A = arith.constant 1 : i32
      %sub3A_68 = arith.subi %div3A, %sub3A : i32
      %select_n3A = arith.select %and3A, %sub3A_68, %div3A : i32
      %jit3A_69 = arith.constant 4 : i32
      %eq3A = arith.constant 0 : i32
      %eq3A_70 = arith.cmpi eq, %jit3A_69, %eq3A : i32
      %jit3A_71 = arith.constant 1 : i32
      %select_n3A_72 = arith.select %eq3A_70, %jit3A_71, %jit3A_69 : i32
      %rem3A_73 = arith.remsi %add3A, %select_n3A_72 : i32
      %ne3A_74 = arith.constant 0 : i32
      %ne3A_75 = arith.cmpi ne, %rem3A_73, %ne3A_74 : i32
      %lt3A = arith.constant 0 : i32
      %lt3A_76 = arith.cmpi slt, %rem3A_73, %lt3A : i32
      %lt3A_77 = arith.constant 0 : i32
      %lt3A_78 = arith.cmpi slt, %select_n3A_72, %lt3A_77 : i32
      %ne3A_79 = arith.xori %lt3A_76, %lt3A_78 : i1
      %and3A_80 = arith.andi %ne3A_79, %ne3A_75 : i1
      %add3A_81 = arith.addi %rem3A_73, %select_n3A_72 : i32
      %select_n3A_82 = arith.select %and3A_80, %add3A_81, %rem3A_73 : i32
      %mul3A_83 = arith.constant 512 : i32
      %mul3A_84 = arith.muli %select_n3A_82, %mul3A_83 : i32
      %mul3A_85 = arith.constant 65536 : i32
      %mul3A_86 = arith.muli %arg1, %mul3A_85 : i32
      %add3A_87 = arith.constant 0 : i32
      %add3A_88 = arith.addi %mul3A_86, %add3A_87 : i32
      "tpu.region"() ({
        %run_scoped3A = tpu.sem_alloc : memref<!tpu.dma_semaphore, #tpu.memory_space<semaphore_mem>>
        %dma_start3A = tpu.memref_slice %arg6[%add3A_88] : memref<1050624xf32, #tpu.memory_space<vmem_shared>> -> memref<16384xf32, #tpu.memory_space<vmem_shared>>
        %dma_start3A_134 = tpu.memref_slice %arg6[%add3A_88] : memref<1050624xf32, #tpu.memory_space<vmem_shared>> -> memref<16384xf32, #tpu.memory_space<vmem_shared>>
        tpu.enqueue_dma source(%arg11 : memref<16384xf32, #tpu.memory_space<vmem>>) target(%dma_start3A_134 : memref<16384xf32, #tpu.memory_space<vmem_shared>>) target_semaphore(%run_scoped3A : memref<!tpu.dma_semaphore, #tpu.memory_space<semaphore_mem>>)
        %dma_wait3A = tpu.memref_slice %arg6[%add3A_88] : memref<1050624xf32, #tpu.memory_space<vmem_shared>> -> memref<16384xf32, #tpu.memory_space<vmem_shared>>
        %dma_wait3A_135 = tpu.memref_slice %arg6[%add3A_88] : memref<1050624xf32, #tpu.memory_space<vmem_shared>> -> memref<16384xf32, #tpu.memory_space<vmem_shared>>
        tpu.wait_dma2 semaphore(%run_scoped3A : memref<!tpu.dma_semaphore, #tpu.memory_space<semaphore_mem>>) src(%arg11 : memref<16384xf32, #tpu.memory_space<vmem>>) dst(%dma_wait3A_135 : memref<16384xf32, #tpu.memory_space<vmem_shared>>)
        tpu.yield
      }) : () -> ()
      %mul3A_89 = arith.constant 65536 : i32
      %mul3A_90 = arith.muli %arg1, %mul3A_89 : i32
      %add3A_91 = arith.constant 16384 : i32
      %add3A_92 = arith.addi %mul3A_90, %add3A_91 : i32
      "tpu.region"() ({
        %run_scoped3A = tpu.sem_alloc : memref<!tpu.dma_semaphore, #tpu.memory_space<semaphore_mem>>
        %dma_start3A = tpu.memref_slice %arg6[%add3A_92] : memref<1050624xf32, #tpu.memory_space<vmem_shared>> -> memref<16384xf32, #tpu.memory_space<vmem_shared>>
        %dma_start3A_134 = tpu.memref_slice %arg6[%add3A_92] : memref<1050624xf32, #tpu.memory_space<vmem_shared>> -> memref<16384xf32, #tpu.memory_space<vmem_shared>>
        tpu.enqueue_dma source(%arg11 : memref<16384xf32, #tpu.memory_space<vmem>>) target(%dma_start3A_134 : memref<16384xf32, #tpu.memory_space<vmem_shared>>) target_semaphore(%run_scoped3A : memref<!tpu.dma_semaphore, #tpu.memory_space<semaphore_mem>>)
        %dma_wait3A = tpu.memref_slice %arg6[%add3A_92] : memref<1050624xf32, #tpu.memory_space<vmem_shared>> -> memref<16384xf32, #tpu.memory_space<vmem_shared>>
        %dma_wait3A_135 = tpu.memref_slice %arg6[%add3A_92] : memref<1050624xf32, #tpu.memory_space<vmem_shared>> -> memref<16384xf32, #tpu.memory_space<vmem_shared>>
        tpu.wait_dma2 semaphore(%run_scoped3A : memref<!tpu.dma_semaphore, #tpu.memory_space<semaphore_mem>>) src(%arg11 : memref<16384xf32, #tpu.memory_space<vmem>>) dst(%dma_wait3A_135 : memref<16384xf32, #tpu.memory_space<vmem_shared>>)
        tpu.yield
      }) : () -> ()
      %mul3A_93 = arith.constant 65536 : i32
      %mul3A_94 = arith.muli %arg1, %mul3A_93 : i32
      %add3A_95 = arith.constant 32768 : i32
      %add3A_96 = arith.addi %mul3A_94, %add3A_95 : i32
      "tpu.region"() ({
        %run_scoped3A = tpu.sem_alloc : memref<!tpu.dma_semaphore, #tpu.memory_space<semaphore_mem>>
        %dma_start3A = tpu.memref_slice %arg6[%add3A_96] : memref<1050624xf32, #tpu.memory_space<vmem_shared>> -> memref<16384xf32, #tpu.memory_space<vmem_shared>>
        %dma_start3A_134 = tpu.memref_slice %arg6[%add3A_96] : memref<1050624xf32, #tpu.memory_space<vmem_shared>> -> memref<16384xf32, #tpu.memory_space<vmem_shared>>
        tpu.enqueue_dma source(%arg11 : memref<16384xf32, #tpu.memory_space<vmem>>) target(%dma_start3A_134 : memref<16384xf32, #tpu.memory_space<vmem_shared>>) target_semaphore(%run_scoped3A : memref<!tpu.dma_semaphore, #tpu.memory_space<semaphore_mem>>)
        %dma_wait3A = tpu.memref_slice %arg6[%add3A_96] : memref<1050624xf32, #tpu.memory_space<vmem_shared>> -> memref<16384xf32, #tpu.memory_space<vmem_shared>>
        %dma_wait3A_135 = tpu.memref_slice %arg6[%add3A_96] : memref<1050624xf32, #tpu.memory_space<vmem_shared>> -> memref<16384xf32, #tpu.memory_space<vmem_shared>>
        tpu.wait_dma2 semaphore(%run_scoped3A : memref<!tpu.dma_semaphore, #tpu.memory_space<semaphore_mem>>) src(%arg11 : memref<16384xf32, #tpu.memory_space<vmem>>) dst(%dma_wait3A_135 : memref<16384xf32, #tpu.memory_space<vmem_shared>>)
        tpu.yield
      }) : () -> ()
      %mul3A_97 = arith.constant 65536 : i32
      %mul3A_98 = arith.muli %arg1, %mul3A_97 : i32
      %add3A_99 = arith.constant 49152 : i32
      %add3A_100 = arith.addi %mul3A_98, %add3A_99 : i32
      "tpu.region"() ({
        %run_scoped3A = tpu.sem_alloc : memref<!tpu.dma_semaphore, #tpu.memory_space<semaphore_mem>>
        %dma_start3A = tpu.memref_slice %arg6[%add3A_100] : memref<1050624xf32, #tpu.memory_space<vmem_shared>> -> memref<16384xf32, #tpu.memory_space<vmem_shared>>
        %dma_start3A_134 = tpu.memref_slice %arg6[%add3A_100] : memref<1050624xf32, #tpu.memory_space<vmem_shared>> -> memref<16384xf32, #tpu.memory_space<vmem_shared>>
        tpu.enqueue_dma source(%arg11 : memref<16384xf32, #tpu.memory_space<vmem>>) target(%dma_start3A_134 : memref<16384xf32, #tpu.memory_space<vmem_shared>>) target_semaphore(%run_scoped3A : memref<!tpu.dma_semaphore, #tpu.memory_space<semaphore_mem>>)
        %dma_wait3A = tpu.memref_slice %arg6[%add3A_100] : memref<1050624xf32, #tpu.memory_space<vmem_shared>> -> memref<16384xf32, #tpu.memory_space<vmem_shared>>
        %dma_wait3A_135 = tpu.memref_slice %arg6[%add3A_100] : memref<1050624xf32, #tpu.memory_space<vmem_shared>> -> memref<16384xf32, #tpu.memory_space<vmem_shared>>
        tpu.wait_dma2 semaphore(%run_scoped3A : memref<!tpu.dma_semaphore, #tpu.memory_space<semaphore_mem>>) src(%arg11 : memref<16384xf32, #tpu.memory_space<vmem>>) dst(%dma_wait3A_135 : memref<16384xf32, #tpu.memory_space<vmem_shared>>)
        tpu.yield
      }) : () -> ()
      %mul3A_101 = arith.constant 128 : i32
      %mul3A_102 = arith.muli %arg1, %mul3A_101 : i32
      %add3A_103 = arith.constant 1048576 : i32
      %add3A_104 = arith.addi %add3A_103, %mul3A_102 : i32
      "tpu.region"() ({
        %run_scoped3A = tpu.sem_alloc : memref<!tpu.dma_semaphore, #tpu.memory_space<semaphore_mem>>
        %dma_start3A = arith.constant 0 : i32
        %dma_start3A_134 = tpu.memref_slice %arg11[%dma_start3A] : memref<16384xf32, #tpu.memory_space<vmem>> -> memref<128xf32, #tpu.memory_space<vmem>>
        %dma_start3A_135 = tpu.memref_slice %arg6[%add3A_104] : memref<1050624xf32, #tpu.memory_space<vmem_shared>> -> memref<128xf32, #tpu.memory_space<vmem_shared>>
        %dma_start3A_136 = tpu.memref_slice %arg6[%add3A_104] : memref<1050624xf32, #tpu.memory_space<vmem_shared>> -> memref<128xf32, #tpu.memory_space<vmem_shared>>
        %dma_start3A_137 = arith.constant 0 : i32
        %dma_start3A_138 = tpu.memref_slice %arg11[%dma_start3A_137] : memref<16384xf32, #tpu.memory_space<vmem>> -> memref<128xf32, #tpu.memory_space<vmem>>
        tpu.enqueue_dma source(%dma_start3A_138 : memref<128xf32, #tpu.memory_space<vmem>>) target(%dma_start3A_136 : memref<128xf32, #tpu.memory_space<vmem_shared>>) target_semaphore(%run_scoped3A : memref<!tpu.dma_semaphore, #tpu.memory_space<semaphore_mem>>)
        %dma_wait3A = arith.constant 0 : i32
        %dma_wait3A_139 = tpu.memref_slice %arg11[%dma_wait3A] : memref<16384xf32, #tpu.memory_space<vmem>> -> memref<128xf32, #tpu.memory_space<vmem>>
        %dma_wait3A_140 = tpu.memref_slice %arg6[%add3A_104] : memref<1050624xf32, #tpu.memory_space<vmem_shared>> -> memref<128xf32, #tpu.memory_space<vmem_shared>>
        %dma_wait3A_141 = tpu.memref_slice %arg6[%add3A_104] : memref<1050624xf32, #tpu.memory_space<vmem_shared>> -> memref<128xf32, #tpu.memory_space<vmem_shared>>
        %dma_wait3A_142 = arith.constant 0 : i32
        %dma_wait3A_143 = tpu.memref_slice %arg11[%dma_wait3A_142] : memref<16384xf32, #tpu.memory_space<vmem>> -> memref<128xf32, #tpu.memory_space<vmem>>
        tpu.wait_dma2 semaphore(%run_scoped3A : memref<!tpu.dma_semaphore, #tpu.memory_space<semaphore_mem>>) src(%dma_wait3A_143 : memref<128xf32, #tpu.memory_space<vmem>>) dst(%dma_wait3A_141 : memref<128xf32, #tpu.memory_space<vmem_shared>>)
        tpu.yield
      }) : () -> ()
      %mul3A_105 = arith.constant 2048 : i32
      %mul3A_106 = arith.muli %arg1, %mul3A_105 : i32
      "tpu.region"() ({
        %run_scoped3A = tpu.sem_alloc : memref<!tpu.dma_semaphore, #tpu.memory_space<semaphore_mem>>
        %dma_start3A = tpu.memref_slice %arg2[%select_n3A, %mul3A_106] : memref<4x32768xi32, #tpu.memory_space<hbm>> -> memref<1x2048xi32, #tpu.memory_space<hbm>>
        %dma_start3A_134 = tpu.memref_squeeze %dma_start3A : memref<1x2048xi32, #tpu.memory_space<hbm>> -> memref<2048xi32, #tpu.memory_space<hbm>>
        %dma_start3A_135 = tpu.memref_slice %arg2[%select_n3A, %mul3A_106] : memref<4x32768xi32, #tpu.memory_space<hbm>> -> memref<1x2048xi32, #tpu.memory_space<hbm>>
        %dma_start3A_136 = tpu.memref_squeeze %dma_start3A_135 : memref<1x2048xi32, #tpu.memory_space<hbm>> -> memref<2048xi32, #tpu.memory_space<hbm>>
        tpu.enqueue_dma source(%dma_start3A_136 : memref<2048xi32, #tpu.memory_space<hbm>>) target(%arg7 : memref<2048xi32, #tpu.memory_space<vmem>>) target_semaphore(%run_scoped3A : memref<!tpu.dma_semaphore, #tpu.memory_space<semaphore_mem>>)
        %dma_wait3A = tpu.memref_slice %arg2[%select_n3A, %mul3A_106] : memref<4x32768xi32, #tpu.memory_space<hbm>> -> memref<1x2048xi32, #tpu.memory_space<hbm>>
        %dma_wait3A_137 = tpu.memref_squeeze %dma_wait3A : memref<1x2048xi32, #tpu.memory_space<hbm>> -> memref<2048xi32, #tpu.memory_space<hbm>>
        %dma_wait3A_138 = tpu.memref_slice %arg2[%select_n3A, %mul3A_106] : memref<4x32768xi32, #tpu.memory_space<hbm>> -> memref<1x2048xi32, #tpu.memory_space<hbm>>
        %dma_wait3A_139 = tpu.memref_squeeze %dma_wait3A_138 : memref<1x2048xi32, #tpu.memory_space<hbm>> -> memref<2048xi32, #tpu.memory_space<hbm>>
        tpu.wait_dma2 semaphore(%run_scoped3A : memref<!tpu.dma_semaphore, #tpu.memory_space<semaphore_mem>>) src(%dma_wait3A_139 : memref<2048xi32, #tpu.memory_space<hbm>>) dst(%arg7 : memref<2048xi32, #tpu.memory_space<vmem>>)
        tpu.yield
      }) : () -> ()
      %mul3A_107 = arith.constant 2048 : i32
      %mul3A_108 = arith.muli %arg1, %mul3A_107 : i32
      "tpu.region"() ({
        %run_scoped3A = tpu.sem_alloc : memref<!tpu.dma_semaphore, #tpu.memory_space<semaphore_mem>>
        %dma_start3A = tpu.memref_slice %arg3[%select_n3A, %mul3A_108] : memref<4x32768xi32, #tpu.memory_space<hbm>> -> memref<1x2048xi32, #tpu.memory_space<hbm>>
        %dma_start3A_134 = tpu.memref_squeeze %dma_start3A : memref<1x2048xi32, #tpu.memory_space<hbm>> -> memref<2048xi32, #tpu.memory_space<hbm>>
        %dma_start3A_135 = tpu.memref_slice %arg3[%select_n3A, %mul3A_108] : memref<4x32768xi32, #tpu.memory_space<hbm>> -> memref<1x2048xi32, #tpu.memory_space<hbm>>
        %dma_start3A_136 = tpu.memref_squeeze %dma_start3A_135 : memref<1x2048xi32, #tpu.memory_space<hbm>> -> memref<2048xi32, #tpu.memory_space<hbm>>
        tpu.enqueue_dma source(%dma_start3A_136 : memref<2048xi32, #tpu.memory_space<hbm>>) target(%arg8 : memref<2048xi32, #tpu.memory_space<vmem>>) target_semaphore(%run_scoped3A : memref<!tpu.dma_semaphore, #tpu.memory_space<semaphore_mem>>)
        %dma_wait3A = tpu.memref_slice %arg3[%select_n3A, %mul3A_108] : memref<4x32768xi32, #tpu.memory_space<hbm>> -> memref<1x2048xi32, #tpu.memory_space<hbm>>
        %dma_wait3A_137 = tpu.memref_squeeze %dma_wait3A : memref<1x2048xi32, #tpu.memory_space<hbm>> -> memref<2048xi32, #tpu.memory_space<hbm>>
        %dma_wait3A_138 = tpu.memref_slice %arg3[%select_n3A, %mul3A_108] : memref<4x32768xi32, #tpu.memory_space<hbm>> -> memref<1x2048xi32, #tpu.memory_space<hbm>>
        %dma_wait3A_139 = tpu.memref_squeeze %dma_wait3A_138 : memref<1x2048xi32, #tpu.memory_space<hbm>> -> memref<2048xi32, #tpu.memory_space<hbm>>
        tpu.wait_dma2 semaphore(%run_scoped3A : memref<!tpu.dma_semaphore, #tpu.memory_space<semaphore_mem>>) src(%dma_wait3A_139 : memref<2048xi32, #tpu.memory_space<hbm>>) dst(%arg8 : memref<2048xi32, #tpu.memory_space<vmem>>)
        tpu.yield
      }) : () -> ()
      %barrier3A = arith.constant 0 : index
      tpu.barrier barrier_id(%barrier3A)
      %mul3A_109 = arith.constant 128 : i32
      %mul3A_110 = arith.muli %arg1, %mul3A_109 : i32
      %add3A_111 = arith.constant 1048576 : i32
      %add3A_112 = arith.addi %add3A_111, %mul3A_110 : i32
      %scan3A_113 = arith.constant 0 : i32
      %scan3A_114 = arith.constant 0 : i32
      %scan3A_115 = arith.constant 128 : i32
      %scan3A_116 = arith.addi %scan3A_114, %scan3A_115 : i32
      %scan3A_117 = arith.constant 1 : i32
      scf.for %scan3A_134 = %scan3A_114 to %scan3A_116 step %scan3A_117  : i32 {
        %mul3A_135 = arith.constant 16 : i32
        %mul3A_136 = arith.muli %scan3A_134, %mul3A_135 : i32
        %get3A = arith.index_cast %mul3A_136 : i32 to index
        %get3A_137 = tpu.vector_load %arg7[%get3A] {strides = array<i32>} : memref<2048xi32, #tpu.memory_space<vmem>>, vector<16xi32>,
        %get3A_138 = vector.shape_cast %get3A_137 : vector<16xi32> to vector<16xi32>
        %mul3A_139 = arith.constant 16 : i32
        %mul3A_140 = arith.muli %scan3A_134, %mul3A_139 : i32
        %get3A_141 = arith.index_cast %mul3A_140 : i32 to index
        %get3A_142 = tpu.vector_load %arg8[%get3A_141] {strides = array<i32>} : memref<2048xi32, #tpu.memory_space<vmem>>, vector<16xi32>,
        %get3A_143 = vector.shape_cast %get3A_142 : vector<16xi32> to vector<16xi32>
        %jit3A_144 = arith.constant 8 : i32
        %eq3A_145 = arith.constant 0 : i32
        %eq3A_146 = arith.cmpi eq, %jit3A_144, %eq3A_145 : i32
        %jit3A_147 = arith.constant 1 : i32
        %select_n3A_148 = arith.select %eq3A_146, %jit3A_147, %jit3A_144 : i32
        %rem3A_149 = arith.remsi %scan3A_134, %select_n3A_148 : i32
        %ne3A_150 = arith.constant 0 : i32
        %ne3A_151 = arith.cmpi ne, %rem3A_149, %ne3A_150 : i32
        %lt3A_152 = arith.constant 0 : i32
        %lt3A_153 = arith.cmpi slt, %rem3A_149, %lt3A_152 : i32
        %lt3A_154 = arith.constant 0 : i32
        %lt3A_155 = arith.cmpi slt, %select_n3A_148, %lt3A_154 : i32
        %ne3A_156 = arith.xori %lt3A_153, %lt3A_155 : i1
        %and3A_157 = arith.andi %ne3A_156, %ne3A_151 : i1
        %add3A_158 = arith.addi %rem3A_149, %select_n3A_148 : i32
        %select_n3A_159 = arith.select %and3A_157, %add3A_158, %rem3A_149 : i32
        %mul3A_160 = arith.constant 16 : i32
        %mul3A_161 = arith.muli %select_n3A_159, %mul3A_160 : i32
        %add3A_162 = arith.addi %add3A_112, %mul3A_161 : i32
        %add3A_163 = vector.broadcast %add3A_162 : i32 to vector<16xi32>
        %add3A_164 = arith.addi %add3A_163, %iota3A : vector<16xi32>
        %ge3A = vector.broadcast %mul3A_84 : i32 to vector<16xi32>
        %ge3A_165 = arith.cmpi sge, %get3A_138, %ge3A : vector<16xi32>
        %add3A_166 = arith.constant 512 : i32
        %add3A_167 = arith.addi %mul3A_84, %add3A_166 : i32
        %lt3A_168 = vector.broadcast %add3A_167 : i32 to vector<16xi32>
        %lt3A_169 = arith.cmpi slt, %get3A_138, %lt3A_168 : vector<16xi32>
        %and3A_170 = arith.andi %ge3A_165, %lt3A_169 : vector<16xi1>
        %sub3A_171 = vector.broadcast %mul3A_84 : i32 to vector<16xi32>
        %sub3A_172 = arith.subi %get3A_138, %sub3A_171 : vector<16xi32>
        %mul3A_173 = arith.constant 2048 : i32
        %mul3A_174 = vector.broadcast %mul3A_173 : i32 to vector<16xi32>
        %mul3A_175 = arith.muli %sub3A_172, %mul3A_174 : vector<16xi32>
        %add3A_176 = arith.addi %mul3A_175, %get3A_143 : vector<16xi32>
        %select_n3A_177 = arith.select %and3A_170, %add3A_176, %add3A_164 : vector<16xi1>, vector<16xi32>
        %ge3A_178 = vector.broadcast %mul3A_84 : i32 to vector<16xi32>
        %ge3A_179 = arith.cmpi sge, %get3A_143, %ge3A_178 : vector<16xi32>
        %add3A_180 = arith.constant 512 : i32
        %add3A_181 = arith.addi %mul3A_84, %add3A_180 : i32
        %lt3A_182 = vector.broadcast %add3A_181 : i32 to vector<16xi32>
        %lt3A_183 = arith.cmpi slt, %get3A_143, %lt3A_182 : vector<16xi32>
        %and3A_184 = arith.andi %ge3A_179, %lt3A_183 : vector<16xi1>
        %sub3A_185 = vector.broadcast %mul3A_84 : i32 to vector<16xi32>
        %sub3A_186 = arith.subi %get3A_143, %sub3A_185 : vector<16xi32>
        %mul3A_187 = arith.constant 2048 : i32
        %mul3A_188 = vector.broadcast %mul3A_187 : i32 to vector<16xi32>
        %mul3A_189 = arith.muli %sub3A_186, %mul3A_188 : vector<16xi32>
        %add3A_190 = arith.addi %mul3A_189, %get3A_138 : vector<16xi32>
        %select_n3A_191 = arith.select %and3A_184, %add3A_190, %add3A_164 : vector<16xi1>, vector<16xi32>
        %jit3A_192 = arith.constant 4 : i32
        %div3A_193 = arith.divsi %scan3A_134, %jit3A_192 : i32
        %sign3A_194 = arith.constant 0 : i32
        %sign3A_195 = arith.cmpi sgt, %scan3A_134, %sign3A_194 : i32
        %sign3A_196 = arith.extui %sign3A_195 : i1 to i32
        %sign3A_197 = arith.constant 0 : i32
        %sign3A_198 = arith.cmpi slt, %scan3A_134, %sign3A_197 : i32
        %sign3A_199 = arith.extui %sign3A_198 : i1 to i32
        %sign3A_200 = arith.subi %sign3A_196, %sign3A_199 : i32
        %sign3A_201 = arith.constant 0 : i32
        %sign3A_202 = arith.cmpi sgt, %jit3A_192, %sign3A_201 : i32
        %sign3A_203 = arith.extui %sign3A_202 : i1 to i32
        %sign3A_204 = arith.constant 0 : i32
        %sign3A_205 = arith.cmpi slt, %jit3A_192, %sign3A_204 : i32
        %sign3A_206 = arith.extui %sign3A_205 : i1 to i32
        %sign3A_207 = arith.subi %sign3A_203, %sign3A_206 : i32
        %ne3A_208 = arith.cmpi ne, %sign3A_200, %sign3A_207 : i32
        %rem3A_209 = arith.remsi %scan3A_134, %jit3A_192 : i32
        %ne3A_210 = arith.constant 0 : i32
        %ne3A_211 = arith.cmpi ne, %rem3A_209, %ne3A_210 : i32
        %and3A_212 = arith.andi %ne3A_208, %ne3A_211 : i1
        %sub3A_213 = arith.constant 1 : i32
        %sub3A_214 = arith.subi %div3A_193, %sub3A_213 : i32
        %select_n3A_215 = arith.select %and3A_212, %sub3A_214, %div3A_193 : i32
        %jit3A_216 = arith.constant 4 : i32
        %eq3A_217 = arith.constant 0 : i32
        %eq3A_218 = arith.cmpi eq, %jit3A_216, %eq3A_217 : i32
        %jit3A_219 = arith.constant 1 : i32
        %select_n3A_220 = arith.select %eq3A_218, %jit3A_219, %jit3A_216 : i32
        %rem3A_221 = arith.remsi %scan3A_134, %select_n3A_220 : i32
        %ne3A_222 = arith.constant 0 : i32
        %ne3A_223 = arith.cmpi ne, %rem3A_221, %ne3A_222 : i32
        %lt3A_224 = arith.constant 0 : i32
        %lt3A_225 = arith.cmpi slt, %rem3A_221, %lt3A_224 : i32
        %lt3A_226 = arith.constant 0 : i32
        %lt3A_227 = arith.cmpi slt, %select_n3A_220, %lt3A_226 : i32
        %ne3A_228 = arith.xori %lt3A_225, %lt3A_227 : i1
        %and3A_229 = arith.andi %ne3A_228, %ne3A_223 : i1
        %add3A_230 = arith.addi %rem3A_221, %select_n3A_220 : i32
        %select_n3A_231 = arith.select %and3A_229, %add3A_230, %rem3A_221 : i32
        %mul3A_232 = arith.constant 2 : i32
        %mul3A_233 = arith.muli %select_n3A_231, %mul3A_232 : i32
        %mul3A_234 = arith.constant 16 : i32
        %mul3A_235 = arith.muli %mul3A_233, %mul3A_234 : i32
        %swap3A_236 = arith.index_cast %select_n3A_215 : i32 to index
        %swap3A_237 = arith.index_cast %mul3A_235 : i32 to index
        %swap3A_238 = tpu.vector_load %arg9[%swap3A_236, %swap3A_237] {strides = array<i32>} : memref<32x128xi32, #tpu.memory_space<vmem>>, vector<1x16xi32>,
        %swap3A_239 = vector.shape_cast %swap3A_238 : vector<1x16xi32> to vector<16xi32>
        %swap3A_240 = vector.shape_cast %select_n3A_177 : vector<16xi32> to vector<1x16xi32>
        tpu.vector_store %arg9[%swap3A_236, %swap3A_237], %swap3A_240 {strides = array<i32>} : memref<32x128xi32, #tpu.memory_space<vmem>>, vector<1x16xi32>,
        %add3A_241 = arith.constant 16 : i32
        %add3A_242 = arith.addi %mul3A_235, %add3A_241 : i32
        %swap3A_243 = arith.index_cast %select_n3A_215 : i32 to index
        %swap3A_244 = arith.index_cast %add3A_242 : i32 to index
        %swap3A_245 = tpu.vector_load %arg9[%swap3A_243, %swap3A_244] {strides = array<i32>} : memref<32x128xi32, #tpu.memory_space<vmem>>, vector<1x16xi32>,
        %swap3A_246 = vector.shape_cast %swap3A_245 : vector<1x16xi32> to vector<16xi32>
        %swap3A_247 = vector.shape_cast %select_n3A_191 : vector<16xi32> to vector<1x16xi32>
        tpu.vector_store %arg9[%swap3A_243, %swap3A_244], %swap3A_247 {strides = array<i32>} : memref<32x128xi32, #tpu.memory_space<vmem>>, vector<1x16xi32>,
      }
      %scan3A_118 = arith.constant 128 : i32
      %scan3A_119 = arith.constant 0 : i32
      %scan3A_120 = arith.constant 0 : i32
      %scan3A_121 = arith.constant 32 : i32
      %scan3A_122 = arith.addi %scan3A_120, %scan3A_121 : i32
      %scan3A_123 = arith.constant 1 : i32
      scf.for %scan3A_134 = %scan3A_120 to %scan3A_122 step %scan3A_123  : i32 {
        "tpu.region"() ({
          %run_scoped3A = tpu.sem_alloc : memref<!tpu.dma_semaphore, #tpu.memory_space<semaphore_mem>>
          %dma_start3A = arith.constant 0 : i32
          %dma_start3A_135 = tpu.memref_slice %arg9[%scan3A_134, %dma_start3A] : memref<32x128xi32, #tpu.memory_space<vmem>> -> memref<1x128xi32, #tpu.memory_space<vmem>>
          %dma_start3A_136 = tpu.memref_squeeze %dma_start3A_135 : memref<1x128xi32, #tpu.memory_space<vmem>> -> memref<128xi32, #tpu.memory_space<vmem>>
          %dma_start3A_137 = arith.constant 0 : i32
          %dma_start3A_138 = tpu.memref_slice %arg6[%dma_start3A_137] : memref<1050624xf32, #tpu.memory_space<vmem_shared>> -> memref<1050624xf32, #tpu.memory_space<vmem_shared>>
          tpu.enqueue_indirect_dma source(%arg10 : memref<128xf32, #tpu.memory_space<vmem>>) target(%dma_start3A_138 : memref<1050624xf32, #tpu.memory_space<vmem_shared>>) offsets(%dma_start3A_136 : memref<128xi32, #tpu.memory_space<vmem>>) semaphore(%run_scoped3A : memref<!tpu.dma_semaphore, #tpu.memory_space<semaphore_mem>>) {add = true}
          %dma_wait3A = arith.constant 0 : i32
          %dma_wait3A_139 = tpu.memref_slice %arg9[%scan3A_134, %dma_wait3A] : memref<32x128xi32, #tpu.memory_space<vmem>> -> memref<1x128xi32, #tpu.memory_space<vmem>>
          %dma_wait3A_140 = tpu.memref_squeeze %dma_wait3A_139 : memref<1x128xi32, #tpu.memory_space<vmem>> -> memref<128xi32, #tpu.memory_space<vmem>>
          %dma_wait3A_141 = arith.constant 0 : i32
          %dma_wait3A_142 = tpu.memref_slice %arg6[%dma_wait3A_141] : memref<1050624xf32, #tpu.memory_space<vmem_shared>> -> memref<1050624xf32, #tpu.memory_space<vmem_shared>>
          tpu.wait_indirect_dma semaphore(%run_scoped3A : memref<!tpu.dma_semaphore, #tpu.memory_space<semaphore_mem>>) src(%arg10 : memref<128xf32, #tpu.memory_space<vmem>>) dst(%dma_wait3A_142 : memref<1050624xf32, #tpu.memory_space<vmem_shared>>)
          tpu.yield
        }) : () -> ()
      }
      %scan3A_124 = arith.constant 32 : i32
      %barrier3A_125 = arith.constant 0 : index
      tpu.barrier barrier_id(%barrier3A_125)
      %mul3A_126 = arith.constant 65536 : i32
      %mul3A_127 = arith.muli %arg1, %mul3A_126 : i32
      %mul3A_128 = arith.constant 2048 : i32
      %mul3A_129 = arith.muli %mul3A_84, %mul3A_128 : i32
      %mul3A_130 = arith.constant 65536 : i32
      %mul3A_131 = arith.muli %arg1, %mul3A_130 : i32
      %add3A_132 = arith.addi %mul3A_129, %mul3A_131 : i32
      "tpu.region"() ({
        %run_scoped3A = tpu.sem_alloc : memref<!tpu.dma_semaphore, #tpu.memory_space<semaphore_mem>>
        %dma_start3A = tpu.memref_slice %arg5[%select_n3A, %add3A_132] : memref<4x4194304xf32, #tpu.memory_space<hbm>> -> memref<1x65536xf32, #tpu.memory_space<hbm>>
        %dma_start3A_134 = tpu.memref_squeeze %dma_start3A : memref<1x65536xf32, #tpu.memory_space<hbm>> -> memref<65536xf32, #tpu.memory_space<hbm>>
        %dma_start3A_135 = tpu.memref_slice %arg6[%mul3A_127] : memref<1050624xf32, #tpu.memory_space<vmem_shared>> -> memref<65536xf32, #tpu.memory_space<vmem_shared>>
        tpu.enqueue_dma source(%dma_start3A_135 : memref<65536xf32, #tpu.memory_space<vmem_shared>>) target(%dma_start3A_134 : memref<65536xf32, #tpu.memory_space<hbm>>) target_semaphore(%run_scoped3A : memref<!tpu.dma_semaphore, #tpu.memory_space<semaphore_mem>>)
        %dma_wait3A = tpu.memref_slice %arg5[%select_n3A, %add3A_132] : memref<4x4194304xf32, #tpu.memory_space<hbm>> -> memref<1x65536xf32, #tpu.memory_space<hbm>>
        %dma_wait3A_136 = tpu.memref_squeeze %dma_wait3A : memref<1x65536xf32, #tpu.memory_space<hbm>> -> memref<65536xf32, #tpu.memory_space<hbm>>
        %dma_wait3A_137 = tpu.memref_slice %arg6[%mul3A_127] : memref<1050624xf32, #tpu.memory_space<vmem_shared>> -> memref<65536xf32, #tpu.memory_space<vmem_shared>>
        tpu.wait_dma2 semaphore(%run_scoped3A : memref<!tpu.dma_semaphore, #tpu.memory_space<semaphore_mem>>) src(%dma_wait3A_137 : memref<65536xf32, #tpu.memory_space<vmem_shared>>) dst(%dma_wait3A_136 : memref<65536xf32, #tpu.memory_space<hbm>>)
        tpu.yield
      }) : () -> ()
      %barrier3A_133 = arith.constant 0 : index
      tpu.barrier barrier_id(%barrier3A_133)
    }
    %scan3A_50 = arith.constant 8 : i32
    return
  }
}

module attributes {stable_mosaic.version = 14 : i64} {
  func.func @_norm_kernel(%arg0: i32, %arg1: memref<1024x256xf32, #tpu.memory_space<vmem>>, %arg2: memref<1024x256xf32, #tpu.memory_space<vmem>>) attributes {dimension_semantics = [#tpu.dimension_semantics<arbitrary>], iteration_bounds = array<i64: 8>, scalar_prefetch = 0 : i64, scratch_operands = 0 : i64, tpu.core_type = #tpu.core_type<tc>, window_params = [{transform_indices = @transform_0, window_bounds = array<i64: 1024, 256>}, {transform_indices = @transform_1, window_bounds = array<i64: 1024, 256>}]} {
    %get3A = arith.constant 0 : index
    %get3A_0 = arith.constant 0 : index
    %get3A_1 = vector.load %arg1[%get3A, %get3A_0] : memref<1024x256xf32, #tpu.memory_space<vmem>>, vector<1024x256xf32>
    %mul3A = arith.mulf %get3A_1, %get3A_1 : vector<1024x256xf32>
    %reduce_sum3A = arith.constant dense<0.000000e+00> : vector<1024xf32>
    %reduce_sum3A_2 = vector.multi_reduction <add>, %mul3A, %reduce_sum3A [1] : vector<1024x256xf32> to vector<1024xf32>
    %broadcast_in_dim3A = vector.shape_cast %reduce_sum3A_2 : vector<1024xf32> to vector<1024x1xf32>
    %sqrt3A = math.sqrt %broadcast_in_dim3A : vector<1024x1xf32>
    %max3A = arith.constant 9.99999993E-9 : f32
    %max3A_3 = vector.broadcast %max3A : f32 to vector<1024x1xf32>
    %max3A_4 = arith.maximumf %sqrt3A, %max3A_3 : vector<1024x1xf32>
    %div3A = vector.broadcast %max3A_4 : vector<1024x1xf32> to vector<1024x256xf32>
    %div3A_5 = arith.divf %get3A_1, %div3A : vector<1024x256xf32>
    %swap3A = arith.constant 0 : index
    %swap3A_6 = arith.constant 0 : index
    %swap3A_7 = vector.load %arg2[%swap3A, %swap3A_6] : memref<1024x256xf32, #tpu.memory_space<vmem>>, vector<1024x256xf32>
    tpu.vector_store %arg2[%swap3A, %swap3A_6], %div3A_5 {strides = array<i32>} : memref<1024x256xf32, #tpu.memory_space<vmem>>, vector<1024x256xf32>,
    return
  }
  func.func @transform_0(%arg0: i32) -> (i32, i32) {
    %c0_i32 = arith.constant 0 : i32
    %c0_i32_0 = arith.constant 0 : i32
    return %arg0, %c0_i32 : i32, i32
  }
  func.func @transform_1(%arg0: i32) -> (i32, i32) {
    %c0_i32 = arith.constant 0 : i32
    %c0_i32_0 = arith.constant 0 : i32
    return %arg0, %c0_i32 : i32, i32
  }
}

module attributes {stable_mosaic.version = 14 : i64} {
  func.func @_mm_kernel(%arg0: i32, %arg1: i32, %arg2: memref<1x256x256xf32, #tpu.memory_space<vmem>>, %arg3: memref<1x2048x256xf32, #tpu.memory_space<vmem>>, %arg4: memref<1x256x2048xf32, #tpu.memory_space<vmem>>, %arg5: memref<1x256x2048xf32, #tpu.memory_space<vmem>>) attributes {dimension_semantics = [#tpu.dimension_semantics<arbitrary>, #tpu.dimension_semantics<arbitrary>], iteration_bounds = array<i64: 4, 8>, scalar_prefetch = 0 : i64, scratch_operands = 0 : i64, tpu.core_type = #tpu.core_type<tc>, window_params = [{transform_indices = @transform_0, window_bounds = array<i64: 1, 256, 256>}, {transform_indices = @transform_1, window_bounds = array<i64: 1, 2048, 256>}, {transform_indices = @transform_2, window_bounds = array<i64: 1, 256, 2048>}, {transform_indices = @transform_3, window_bounds = array<i64: 1, 256, 2048>}]} {
    %get3A = arith.constant 0 : index
    %get3A_0 = arith.constant 0 : index
    %get3A_1 = arith.constant 0 : index
    %get3A_2 = vector.load %arg2[%get3A, %get3A_0, %get3A_1] : memref<1x256x256xf32, #tpu.memory_space<vmem>>, vector<1x256x256xf32>
    %get3A_3 = vector.shape_cast %get3A_2 : vector<1x256x256xf32> to vector<256x256xf32>
    %get3A_4 = arith.constant 0 : index
    %get3A_5 = arith.constant 0 : index
    %get3A_6 = arith.constant 0 : index
    %get3A_7 = vector.load %arg3[%get3A_4, %get3A_5, %get3A_6] : memref<1x2048x256xf32, #tpu.memory_space<vmem>>, vector<1x2048x256xf32>
    %get3A_8 = vector.shape_cast %get3A_7 : vector<1x2048x256xf32> to vector<2048x256xf32>
    %dot_general3A = arith.constant dense<0.000000e+00> : vector<256x2048xf32>
    %dot_general3A_9 = tpu.matmul %get3A_3, %get3A_8, %dot_general3A {dimension_numbers = #tpu.dot_dimension_numbers<[1], [1], [0], [0], [0, 0, 1, 0], [], []>, precision = #tpu.contract_precision<fp32>, transpose_lhs_hint = false} : vector<256x256xf32>, vector<2048x256xf32>, vector<256x2048xf32> -> vector<256x2048xf32>
    %neg3A = arith.constant 0.000000e+00 : f32
    %neg3A_10 = vector.broadcast %neg3A : f32 to vector<256x2048xf32>
    %neg3A_11 = arith.subf %neg3A_10, %dot_general3A_9 : vector<256x2048xf32>
    %exp3A = math.exp %neg3A_11 : vector<256x2048xf32>
    %add3A = arith.constant 1.000000e+00 : f32
    %add3A_12 = vector.broadcast %add3A : f32 to vector<256x2048xf32>
    %add3A_13 = arith.addf %add3A_12, %exp3A : vector<256x2048xf32>
    %div3A = arith.constant 1.000000e+00 : f32
    %div3A_14 = vector.broadcast %div3A : f32 to vector<256x2048xf32>
    %div3A_15 = arith.divf %div3A_14, %add3A_13 : vector<256x2048xf32>
    %get3A_16 = arith.constant 0 : index
    %get3A_17 = arith.constant 0 : index
    %get3A_18 = arith.constant 0 : index
    %get3A_19 = vector.load %arg4[%get3A_16, %get3A_17, %get3A_18] : memref<1x256x2048xf32, #tpu.memory_space<vmem>>, vector<1x256x2048xf32>
    %get3A_20 = vector.shape_cast %get3A_19 : vector<1x256x2048xf32> to vector<256x2048xf32>
    %mul3A = arith.mulf %get3A_20, %div3A_15 : vector<256x2048xf32>
    %swap3A = arith.constant 0 : index
    %swap3A_21 = arith.constant 0 : index
    %swap3A_22 = arith.constant 0 : index
    %swap3A_23 = vector.load %arg5[%swap3A, %swap3A_21, %swap3A_22] : memref<1x256x2048xf32, #tpu.memory_space<vmem>>, vector<1x256x2048xf32>
    %swap3A_24 = vector.shape_cast %swap3A_23 : vector<1x256x2048xf32> to vector<256x2048xf32>
    %swap3A_25 = vector.shape_cast %mul3A : vector<256x2048xf32> to vector<1x256x2048xf32>
    tpu.vector_store %arg5[%swap3A, %swap3A_21, %swap3A_22], %swap3A_25 {strides = array<i32>} : memref<1x256x2048xf32, #tpu.memory_space<vmem>>, vector<1x256x2048xf32>,
    return
  }
  func.func @transform_0(%arg0: i32, %arg1: i32) -> (i32, i32, i32) {
    %c0_i32 = arith.constant 0 : i32
    %c0_i32_0 = arith.constant 0 : i32
    return %arg0, %arg1, %c0_i32 : i32, i32, i32
  }
  func.func @transform_1(%arg0: i32, %arg1: i32) -> (i32, i32, i32) {
    %c0_i32 = arith.constant 0 : i32
    %c0_i32_0 = arith.constant 0 : i32
    %c0_i32_1 = arith.constant 0 : i32
    return %arg0, %c0_i32, %c0_i32_0 : i32, i32, i32
  }
  func.func @transform_2(%arg0: i32, %arg1: i32) -> (i32, i32, i32) {
    %c0_i32 = arith.constant 0 : i32
    %c0_i32_0 = arith.constant 0 : i32
    return %arg0, %arg1, %c0_i32 : i32, i32, i32
  }
  func.func @transform_3(%arg0: i32, %arg1: i32) -> (i32, i32, i32) {
    %c0_i32 = arith.constant 0 : i32
    %c0_i32_0 = arith.constant 0 : i32
    return %arg0, %arg1, %c0_i32 : i32, i32, i32
  }
}

</mosaic_0001>

<sc_bundles>
// kernel: kernel.5.cloned.1.call-start
scs
__scs_entry_jumppad:
0x0: {  	(pc) =	sbr.rel $0x88, $3  }
0x1: {  	(tag) =	ssettag $0x0;
	lr =	simm.s32 $0x1  }
0x2: {  	[smem:$0x3F9F] =	sst lr;
	_ =	strace $0xD0000000  }
0x3: {  	_ = 	snop  }
0x4: {  	_ = 	snop  }
0x5: {  	_ = 	snop  }
0x6: {  	_ = 	snop  }
0x7: {  	_ = 	snop  }
__scs_overlays_trampoline_lowered:
0x8: {  	[smem:$0x3FAE] =	sst s0  }
0x9: {  	[smem:$0x3FAF] =	sst s1  }
0xa: {  	[smem:$0x3FB0] =	sst s2  }
0xb: {  	[smem:$0x3FB1] =	sst s3  }
0xc: {  	[smem:$0x3FB2] =	sst s4  }
0xd: {  	[smem:$0x3FB3] =	sst s5  }
0xe: {  	[smem:$0x3FB4] =	sst s6  }
0xf: {  	[smem:$0x3FB5] =	sst s7  }
0x10: {  	[smem:$0x3FB6] =	sst s8  }
0x11: {  	[smem:$0x3FB7] =	sst s9;
	s0 =	simm.s32 @!p0 $0x0  }
0x12: {  	s1 =	sld [smem:$0x3F9D];
	s0 =	simm.s32 @p0 $0x1  }
0x13: {  	[smem:$0x3FB8] =	sst s0;
	s0 =	simm.s32 @!p1 $0x0  }
0x14: {  	s2 =	sld [smem:$0x3F9C];
	s0 =	simm.s32 @p1 $0x1  }
0x15: {  	[smem:$0x3FB9] =	sst s0;
	s0 =	simm.s32 @!p2 $0x0  }
0x16: {  	s3 =	sld [smem:$0x3FDB];
	s0 =	simm.s32 @p2 $0x1  }
0x17: {  	s4 =	simm.s32 $0x1BF5;
	[smem:$0x3FBB] =	sst s0  }
0x18: {  	s0 =	sld [smem:$0x3F9E];
	_ =	swait.ge [sflag:s4], $0x0  }
0x19: {  	s7 =	sld [smem:$0x3F9F]  }
0x1a: {  	s8 =	sadd.s32 $0xFFFFE003, lr  }
0x1b: {  	s9 =	sadd.s32 $0xFFFFFEF7, lr;
	s5 =	simm.s32 $0xFFFFFFFF;
	p2 =	slt.u32 s8, $0xFFFFF086  }
0x1c: {  	p1 =	slt.u32 s9, $0xF7A;
	s5 =	simm.s32 @!p2 $0x0  }
0x1d: {  	s5 =	simm.s32 @p1 $0x1;
	p0 =	seq.s32 s7, s2  }
0x1e: {  	s7 =	smul.u32 @!p0 $0xF7A, s2;
	p2 =	seq.s32 @!p0 s5, $0x0  }
0x1f: {  	s9 =	smul.u32 $0xF7A, s1;
	s8 =	simm.s32 @!p0 $0x1BF5;
	p2 =	por !p2, p0  }
0x20: {  	[sflag:s8] =	ssyncset.s32 @!p0 $0xFFFFF086;
	s6 =	sadd.s32 @!p0 s3, s7;
	s7 =	simm.s32 @!p0 $0x108  }
0x21: {  	s3 =	sadd.s32 s3, s9;
	s6 =	sadd.s32 @!p0 $0x88, s6;
	s7 =	simm.s32 @p2 $0x1082  }
0x22: {  	[simem:s7], [sflag:s8] =	dma.local @!p0 [hbm:s6], $0xF7A  }
0x23: {  	s9 =	sor.u32 $0xD0000000, s2;
	s6 =	simm.s32 $0x108;
	_ =	swait.ge @!p0 [sflag:s8], $0x0  }
0x24: {  	s3 =	sadd.s32 $0x88, s3;
	s6 =	simm.s32 @!p1 $0x1082;
	[sflag:s4] =	ssyncset.s32 $0xFFFFF086  }
0x25: {  	[simem:s6], [sflag:s4] =	dma.local [hbm:s3], $0xF7A  }
0x26: {  	[smem:$0x3F9F] =	sst s1;
	(tag) =	ssettag s2;
	_ =	strace s9  }
0x27: {  	s1 =	sld [smem:$0x3FAF]  }
0x28: {  	s2 =	sld [smem:$0x3FB0]  }
0x29: {  	s4 =	sld [smem:$0x3FB2]  }
0x2a: {  	p0 =	seq.s32 s5, $0x0;
	s5 =	sld [smem:$0x3FB3]  }
0x2b: {  	s6 =	sld [smem:$0x3FB4]  }
0x2c: {  	s7 =	sld [smem:$0x3FB5]  }
0x2d: {  	s3 =	simm.s32 $0x108;
	s8 =	sld [smem:$0x3FB6]  }
0x2e: {  	s3 =	simm.s32 @!p0 $0x1082;
	s9 =	sld [smem:$0x3FB7]  }
0x2f: {  	lr =	sadd.s32 s0, s3;
	s0 =	sld [smem:$0x3FAE]  }
0x30: {  	s3 =	sld [smem:$0x3FB1]  }
0x31: {  	[smem:$0x3FBA] =	sst s10  }
0x32: {  	s10 =	sld [smem:$0x3FB8];
	_ =	sdelay $0x3  }
0x33: {  	p0 =	seq.s32 s10, $0x1;
	s10 =	sld [smem:$0x3FBA];
	_ =	sdelay $0x3  }
0x34: {  	[smem:$0x3FBA] =	sst s10  }
0x35: {  	s10 =	sld [smem:$0x3FB9];
	_ =	sdelay $0x3  }
0x36: {  	p1 =	seq.s32 s10, $0x1;
	s10 =	sld [smem:$0x3FBA];
	_ =	sdelay $0x3  }
0x37: {  	[smem:$0x3FBA] =	sst s10  }
0x38: {  	s10 =	sld [smem:$0x3FBB]  }
0x39: {  	_ = 	snop;
	(pc) =	sbr.ind lr, $3  }
0x3a: {  	_ = 	snop  }
0x3b: {  	_ = 	snop  }
0x3c: {  	p2 =	seq.s32 s10, $0x1;
	s10 =	sld [smem:$0x3FBA]  }
0x3d: {  	_ =	shalt  }
0x3e: {  	_ =	shalt  }
0x3f: {  	_ =	shalt  }
0x40: {  	_ =	shalt  }
0x41: {  	_ =	shalt  }
0x42: {  	_ =	shalt  }
0x43: {  	_ =	shalt  }
0x44: {  	_ =	shalt  }
0x45: {  	_ =	shalt  }
0x46: {  	_ =	shalt  }
0x47: {  	_ =	shalt  }
0x48: {  	_ =	shalt  }
0x49: {  	_ =	shalt  }
0x4a: {  	_ =	shalt  }
0x4b: {  	_ =	shalt  }
0x4c: {  	_ =	shalt  }
0x4d: {  	_ =	shalt  }
0x4e: {  	_ =	shalt  }
0x4f: {  	_ =	shalt  }
0x50: {  	_ =	shalt  }
0x51: {  	_ =	shalt  }
0x52: {  	_ =	shalt  }
0x53: {  	_ =	shalt  }
0x54: {  	_ =	shalt  }
0x55: {  	_ =	shalt  }
0x56: {  	_ =	shalt  }
0x57: {  	_ =	shalt  }
0x58: {  	_ =	shalt  }
0x59: {  	_ =	shalt  }
0x5a: {  	_ =	shalt  }
0x5b: {  	_ =	shalt  }
0x5c: {  	_ =	shalt  }
0x5d: {  	_ =	shalt  }
0x5e: {  	_ =	shalt  }
0x5f: {  	_ =	shalt  }
0x60: {  	_ =	shalt  }
0x61: {  	_ =	shalt  }
0x62: {  	_ =	shalt  }
0x63: {  	_ =	shalt  }
0x64: {  	_ =	shalt  }
0x65: {  	_ =	shalt  }
0x66: {  	_ =	shalt  }
0x67: {  	_ =	shalt  }
0x68: {  	_ =	shalt  }
0x69: {  	_ =	shalt  }
0x6a: {  	_ =	shalt  }
0x6b: {  	_ =	shalt  }
0x6c: {  	_ =	shalt  }
0x6d: {  	_ =	shalt  }
0x6e: {  	_ =	shalt  }
0x6f: {  	_ =	shalt  }
0x70: {  	_ =	shalt  }
0x71: {  	_ =	shalt  }
0x72: {  	_ =	shalt  }
0x73: {  	_ =	shalt  }
0x74: {  	_ =	shalt  }
0x75: {  	_ =	shalt  }
0x76: {  	_ =	shalt  }
0x77: {  	_ =	shalt  }
0x78: {  	_ =	shalt  }
0x79: {  	_ =	shalt  }
0x7a: {  	_ =	shalt  }
0x7b: {  	_ =	shalt  }
0x7c: {  	_ =	shalt  }
0x7d: {  	_ =	shalt  }
0x7e: {  	_ =	shalt  }
0x7f: {  	_ =	shalt  }
0x80: {  	_ =	shalt  }
0x81: {  	_ =	shalt  }
0x82: {  	_ =	shalt  }
0x83: {  	_ =	shalt  }
0x84: {  	_ =	shalt  }
0x85: {  	_ =	shalt  }
0x86: {  	_ =	shalt  }
0x87: {  	_ =	shalt  }
.Lfunc_end0:
.L_simem_size_0:
called_computation.1_lowered:
.L_overlay_start_0:
0x88: {  	s2 =	sld [smem:$0x3FD9]  }
0x89: {  	s3 =	sld [smem:$0x3FFE];
	_ =	sdelay $0x1  }
0x8a: {  	s1 =	srdreg.scid  }
0x8b: {  	s0 =	sand.u32 $0x1, s1  }
0x8c: {  	s17 =	sshll.u32 s0, $0xA;
	s2 =	sadd.s32 s3, s2  }
0x8d: {  	s2 =	sadd.s32 s2, s17  }
0x8e: {  	[smem:$0x3FC6] =	sst s2  }
0x8f: {  	_ = 	snop  }
0x90: {  	s2 =	sld [smem:$0x3FD0];
	(tm) =	ssettm $0x1  }
0x91: {  	s18 =	sld [smem:$0x3FFB];
	_ =	sdelay $0x3  }
0x92: {  	_ =	strace s18  }
0x93: {  	s3 =	sld [smem:$0x3FFC];
	_ =	sdelay $0x3  }
0x94: {  	_ =	strace s3  }
0x95: {  	s3 =	sld [smem:$0x3FFD];
	_ =	sdelay $0x3  }
0x96: {  	_ =	strace s3  }
0x97: {  	_ =	strace $0x8FFFFFFF  }
0x98: {  	s19 =	sld [smem:$0x3FDB];
	_ =	sdelay $0x1  }
0x99: {  	s4 =	simm.s32 $_scs_section_size  }
0x9a: {  	s5 =	simm.s32 $_size__tile_overlayer_lowered;
	s6 =	simm.s32 $_tile_overlayer_lowered  }
0x9b: {  	s22 =	simm.s32 $0x1BFF;
	s21 =	sshll.u32 s6, $0x1;
	s3 =	sadd.s32 s4, s19  }
0x9c: {  	s7 =	simm.s32 $0x0;
	s20 =	sshll.u32 s5, $0x1;
	s5 =	sadd.s32 s21, s3  }
0x9d: {  	[timem:s7], [sflag:s22] =	dma.local [hbm:s5], s20  }
0x9e: {  	_ =	swait.ge [sflag:s22], s20  }
0x9f: {  	s4 =	ssub.s32 $0x0, s20;
	[sflag:s22] =	ssyncset.done $0x0  }
0xa0: {  	[sflag:s22] =	ssyncadd.s32 s4;
	_ =	sdelay $0x1  }
0xa1: {  	s23 =	simm.s32 $0x1B8B  }
0xa2: {  	_ =	swait.ge [sflag:s23], $0x1  }
0xa3: {  	[sflag:s23] =	ssyncset.done $0x0  }
0xa4: {  	s25 =	simm.s32 $0x1B8E;
	s24 =	sld [smem:$0x3FFE];
	[sflag:s23] =	ssyncadd.s32 $0xFFFFFFFF  }
0xa5: {  	s26 =	simm.s32 $execute0_lowered;
	[smem:$0x3FD2] =	sst s25  }
0xa6: {  	s5 =	sshll.u32 s26, $0x1;
	_ =	strace $0x80000046;
	[dreg:$0x1] =	wrdreg $0xFFFFFFFF  }
0xa7: {  	s28 =	simm.s32 $_size_execute0_lowered;
	s3 =	sadd.s32 s3, s5;
	[dreg:$0x0] =	wrdreg $0x0  }
0xa8: {  	s5 =	sshll.u32 s28, $0x1;
	[dreg:$0x2] =	wrdreg s3  }
0xa9: {  	[dreg:$0x3] =	wrdreg s5  }
0xaa: {  	[dreg:$0x4] =	wrdreg $0xC0  }
0xab: {  	_ =	task [dreg:s7], $0x5FFFF  }
0xac: {  	[dreg:$0x1] =	wrdreg $0xFFFFFFFF  }
0xad: {  	[dreg:$0x0] =	wrdreg $0x60  }
0xae: {  	[dreg:$0x2] =	wrdreg s24  }
0xaf: {  	[dreg:$0x3] =	wrdreg s2  }
0xb0: {  	[dreg:$0x4] =	wrdreg $0x0  }
0xb1: {  	[dreg:$0x5] =	wrdreg $0x9  }
0xb2: {  	_ =	task.clear_ibuf [dreg:s7], $0x6FFFF;
	_ =	strace $0x90000046  }
0xb3: {  	s29 =	simm.s32 $0x9;
	_ =	strace $0x80000048  }
0xb4: {  	_ =	swait.ge [sflag:s29], $0x1  }
0xb5: {  	[sflag:s29] =	ssyncadd.s32 $0xFFFFFFFF  }
0xb6: {  	_ =	strace $0x90000048  }
0xb7: {  	_ =	sfence  }
0xb8: {  	s30 =	sld [smem:$0x0];
	_ =	sdelay $0x2  }
0xb9: {  	s31 =	sshll.u32 s1, $0xD;
	s1 =	sshrl.u32 s1, $0x2  }
0xba: {  	s3 =	sand.u32 $0x4000, s31;
	s1 =	sadd.s32 s1, s30  }
0xbb: {  	s0 =	sor.u32 s3, s0;
	s1 =	sshll.u32 s1, $0x11  }
0xbc: {  	s0 =	sor.u32 s1, s0  }
0xbd: {  	s0 =	sadd.s32 $0x8F2B, s0  }
0xbe: {  	[sflag:s0] =	ssyncadd.remote.s32 $0x1  }
0xbf: {  	_ =	sfence.sel $0xFFFF  }
0xc0: {  	[dreg:$0x0] =	wrdreg $0xFFFFFFFF;
	(pc) =	sbr.abs _section_cstart, $3  }
0xc1: {  	[dreg:$0x1] =	wrdreg $0xFFFFFFFF  }
0xc2: {  	_ =	task.clear_ibuf [dreg:s7], $0x2FFFF;
	_ =	strace $0x9FFFFFFF  }
0xc3: {  	(tm) =	ssettm $0x7FFFFFFF  }
tec
execute0_lowered:
.L_overlay_start_1:
0x0: {  	(tag) =	ssettag $0x1  }
0x1: {  	s0 =	rddreg [dreg:$0x0]  }
0x2: {  	s1 =	rddreg [dreg:$0x1]  }
0x3: {  	s2 =	rddreg [dreg:$0x2]  }
0x4: {  	s3 =	simm.s32 $0x0;
	s29 =	srdreg.scid;
	s4 =	stileid.u32  }
0x5: {  	s18 =	simm.s32 $0x12100;
	s19 =	simm.s32 $0x1;
	s20 =	simm.s32 $0x80  }
0x6: {  	s21 =	simm.s32 $0x200;
	s22 =	simm.s32 $0x12080;
	s23 =	simm.s32 $0x40  }
0x7: {  	s24 =	simm.s32 $0x10;
	s25 =	simm.s32 $0x0;
	[smem:$0x7FF] =	sst s3  }
0x8: {  	s5 =	sadd.s32 $0x4E00, s0;
	s6 =	sand.u32 $0x1, s29;
	s7 =	sadd.s32 $0xE00, s0  }
0x9: {  	s8 =	sshll.u32 s4, $0x12;
	s0 =	sadd.s32 $0x8E00, s0;
	s31 =	sshll.u32 s4, $0x7  }
0xa: {  	s16 =	sshll.u32 s4, $0xD;
	_ =	strace $0x80000047;
	s3 =	ssub.s32 $0x2, s6  }
0xb: {  	[dreg:$0x4] =	wrdreg s0;
	s9 =	sshrl.u32 s8, $0x2;
	s30 =	sshrl.u32 s3, $0x1  }
0xc: {  	s13 =	sor.u32 $0x100000, s31;
	s10 =	sadd.s32 s9, s2;
	s0 =	ssub.s32 s3, s30  }
0xd: {  	s15 =	sadd.s32 s13, s2;
	s11 =	sadd.s32 $0x4000, s10;
	s0 =	smax.u32 s0, $0x1  }
0xe: {  	v0 =	vimm.f32 $1.000000000e+00;
	v1 =	vlaneseq.u32;
	s12 =	sadd.s32 $0x8000, s10;
	s14 =	sadd.s32 $0xC000, s10;
	[dreg:$0x5] =	wrdreg s0  }
.LBB2_1:
0xf: {  	s0 =	simm.s32 $0x0;
	s3 =	rddreg [dreg:$0x4]  }
0x10: {  	[tilespmem:s18], [sflag:$0x1] =	stream.linear.gather [hbm4b:s3+s0], $0x4000, $0x38;
	[tilespmem:$0x16100] =	vst v63  }
0x11: {  	_ =	swait.ge [sflag:s19], $0x4000  }
0x12: {  	[sflag:s19] =	ssyncset.done $0x0  }
0x13: {  	[sflag:s19] =	ssyncadd.s32 $0xFFFFC000  }
0x14: {  	[tilespmem:$0x12080] =	vst v0  }
0x15: {  	[tilespmem:$0x12090] =	vst v0  }
0x16: {  	[tilespmem:$0x120A0] =	vst v0  }
0x17: {  	[tilespmem:$0x120B0] =	vst v0  }
0x18: {  	[tilespmem:$0x120C0] =	vst v0  }
0x19: {  	[tilespmem:$0x120D0] =	vst v0  }
0x1a: {  	[tilespmem:$0x120E0] =	vst v0  }
0x1b: {  	s26 =	simm.s32 $0x0;
	[tilespmem:$0x120F0] =	vst v0  }
.LBB2_2:
0x1c: {  	[spmem:s10] =	stream.linear.scatter [tilespmem:s18], [sflag:$0x1], $0x4000, $0x38;
	[tilespmem:$0x16100] =	vst v63  }
0x1d: {  	_ =	swait.ge [sflag:s19], $0x4000  }
0x1e: {  	[sflag:s19] =	ssyncset.done $0x0  }
0x1f: {  	[sflag:s19] =	ssyncadd.s32 $0xFFFFC000  }
0x20: {  	[spmem:s11] =	stream.linear.scatter [tilespmem:s18], [sflag:$0x1], $0x4000, $0x38;
	[tilespmem:$0x16100] =	vst v63  }
0x21: {  	_ =	swait.ge [sflag:s19], $0x4000  }
0x22: {  	[sflag:s19] =	ssyncset.done $0x0  }
0x23: {  	[sflag:s19] =	ssyncadd.s32 $0xFFFFC000  }
0x24: {  	[spmem:s12] =	stream.linear.scatter [tilespmem:s18], [sflag:$0x1], $0x4000, $0x38;
	[tilespmem:$0x16100] =	vst v63  }
0x25: {  	_ =	swait.ge [sflag:s19], $0x4000  }
0x26: {  	[sflag:s19] =	ssyncset.done $0x0  }
0x27: {  	[sflag:s19] =	ssyncadd.s32 $0xFFFFC000  }
0x28: {  	[spmem:s14] =	stream.linear.scatter [tilespmem:s18], [sflag:$0x1], $0x4000, $0x38;
	[tilespmem:$0x16100] =	vst v63  }
0x29: {  	_ =	swait.ge [sflag:s19], $0x4000  }
0x2a: {  	s0 =	sshll.u32 s26, $0x6;
	[sflag:s19] =	ssyncset.done $0x0  }
0x2b: {  	s28 =	sand.u32 $0x180, s0;
	[sflag:s19] =	ssyncadd.s32 $0xFFFFC000  }
0x2c: {  	[spmem:s15] =	stream.linear.scatter [tilespmem:s18], [sflag:$0x1], $0x80, $0x38;
	[tilespmem:$0x16100] =	vst v63  }
0x2d: {  	s0 =	sor.u32 s16, s28;
	_ =	swait.ge [sflag:s19], $0x80  }
0x2e: {  	s0 =	sshrl.u32 s0, $0x3;
	[sflag:s19] =	ssyncset.done $0x0  }
0x2f: {  	s30 =	simm.s32 $0x10080;
	s3 =	sadd.s32 s5, s0;
	[sflag:s19] =	ssyncadd.s32 $0xFFFFFF80  }
0x30: {  	[tilespmem:s30], [sflag:$0x1] =	stream.strided.gather [hbm4b:s3+s20], $0x800, s21, s20, $0x38;
	[tilespmem:$0x16100] =	vst v63  }
0x31: {  	_ =	swait.ge [sflag:s19], $0x800  }
0x32: {  	[sflag:s19] =	ssyncset.done $0x0  }
0x33: {  	s31 =	simm.s32 $0x10880;
	s0 =	sadd.s32 s7, s0;
	[sflag:s19] =	ssyncadd.s32 $0xFFFFF800  }
0x34: {  	[tilespmem:s31], [sflag:$0x1] =	stream.strided.gather [hbm4b:s0+s20], $0x800, s21, s20, $0x38;
	[tilespmem:$0x16100] =	vst v63  }
0x35: {  	_ =	swait.ge [sflag:s19], $0x800  }
0x36: {  	[sflag:s19] =	ssyncset.done $0x0  }
0x37: {  	[sflag:s19] =	ssyncadd.s32 $0xFFFFF800  }
0x38: {  	s3 =	sshll.u32 s26, $0x1;
	[bflag:$0x0] =	sbarrier.arrive $0xFFFF  }
0x39: {  	s0 =	sand.u32 $0x2, s3;
	v5 =	vld [tilespmem:s30+$0x0]  }
0x3a: {  	s29 =	sor.u32 s6, s0;
	v6 =	vld [tilespmem:s31+$0x0]  }
0x3b: {  	s0 =	sshll.u32 s29, $0x9  }
0x3c: {  	s9 =	sadd.s32 $0x200, s0  }
0x3d: {  	v2 =	vmov s0;
	s0 =	simm.s32 $0x0;
	v3 =	vmov s9  }
0x3e: {  	s17 =	sand.u32 $0x70, s0;
	vm0 =	vge.s32 v5, v2;
	vm1 =	vlt.s32 v5, v3;
	v4 =	vsub.s32 v5, v2  }
0x3f: {  	s3 =	sor.u32 s13, s17;
	v8 =	vsub.s32 v6, v2;
	vm0 =	vmand vm0, vm1;
	v7 =	vshll.u32 v4, $0xB  }
0x40: {  	vm1 =	vge.s32 v6, v2;
	v4 =	vor.u32 s3, v1;
	v7 =	vadd.s32 v6, v7  }
0x41: {  	s17 =	sand.u32 $0xFE0, s0;
	v7 =	vsel vm0, v7, v4;
	vm0 =	vlt.s32 v6, v3;
	v6 =	vshll.u32 v8, $0xB  }
0x42: {  	s9 =	sadd.s32 $0x11080, s17;
	s3 =	simm.s32 $0x20;
	vm0 =	vmand vm1, vm0;
	v5 =	vadd.s32 v5, v6;
	[tilespmem:s17+$0x11080] =	vst v7  }
.LBB2_3:
0x43: {  	v4 =	vsel vm0, v5, v4;
	s0 =	sadd.s32 $0x10, s0;
	s30 =	sadd.s32 $0x10, s30;
	s31 =	sadd.s32 $0x10, s31  }
0x44: {  	p0 =	sne.s32 s3, $0xFE0;
	[tilespmem:s9+$0x10] =	vst v4;
	s9 =	smov.u32 s3;
	s3 =	sadd.s32 $0x20, s3  }
0x45: {  	v5 =	vld [tilespmem:s30+$0x0]  }
0x46: {  	v6 =	vld [tilespmem:s31+$0x0];
	_ =	sdelay $0x3  }
.Ltmp0:
0x47: {  	s17 =	sand.u32 $0x70, s0;
	vm0 =	vge.s32 v5, v2;
	vm1 =	vlt.s32 v5, v3;
	v4 =	vsub.s32 v5, v2;
	(pc) =	sbr.rel @p0 .LBB2_3-.Ltmp0, $4  }
0x48: {  	s17 =	sor.u32 s13, s17;
	vm0 =	vmand vm0, vm1;
	v7 =	vshll.u32 v4, $0xB;
	vm1 =	vge.s32 v6, v2  }
0x49: {  	v4 =	vor.u32 s17, v1;
	v8 =	vsub.s32 v6, v2;
	v7 =	vadd.s32 v6, v7  }
0x4a: {  	s17 =	sand.u32 $0xFE0, s9;
	v7 =	vsel vm0, v7, v4;
	vm0 =	vlt.s32 v6, v3;
	v6 =	vshll.u32 v8, $0xB  }
0x4b: {  	s9 =	sadd.s32 $0x11080, s17;
	vm0 =	vmand vm1, vm0;
	v5 =	vadd.s32 v5, v6;
	[tilespmem:s17+$0x11080] =	vst v7  }
0x4c: {  	v2 =	vsel vm0, v5, v4  }
0x4d: {  	s0 =	simm.s32 $0x11080;
	[tilespmem:s9+$0x10] =	vst v2  }
0x4e: {  	[spmem:s2] =	stream.indirect.scatter.add.f32 [tilespmem:s22], [sflag:$0x1], $0x1, s0, s20, $0xb8;
	[tilespmem:$0x16100] =	vst v63  }
0x4f: {  	s0 =	simm.s32 $0x200;
	_ =	swait.ge [sflag:s19], $0x80  }
.LBB2_5:
0x50: {  	s3 =	sshra.s32 s0, $0x2;
	[sflag:s19] =	ssyncset.done $0x0;
	p0 =	sne.s32 s0, $0x3E00  }
.Ltmp1:
0x51: {  	s3 =	sadd.s32 $0x11080, s3;
	[sflag:s19] =	ssyncadd.s32 $0xFFFFFF80;
	(pc) =	sbr.rel @p0 .LBB2_5-.Ltmp1, $3  }
0x52: {  	[spmem:s2] =	stream.indirect.scatter.add.f32 [tilespmem:s22], [sflag:$0x1], $0x1, s3, s20, $0xb8;
	[tilespmem:$0x16100] =	vst v63  }
0x53: {  	s0 =	sadd.s32 $0x200, s0;
	_ =	sdelay $0x1  }
0x54: {  	_ =	swait.ge [sflag:s19], $0x80  }
0x55: {  	s0 =	sshll.u32 s29, $0x16  }
0x56: {  	[sflag:s19] =	ssyncset.done $0x0;
	s3 =	sshll.u32 s4, $0x6;
	s0 =	sor.u32 s8, s0  }
0x57: {  	s9 =	sshrl.u32 s10, $0x3;
	s26 =	sadd.s32 $0x1, s26;
	s0 =	sor.u32 s28, s0  }
0x58: {  	[sflag:s19] =	ssyncadd.s32 $0xFFFFFF80;
	s3 =	sor.u32 $0x1C01, s3;
	s0 =	sshrl.u32 s0, $0x3  }
0x59: {  	p0 =	sne.s32 s26, $0x8;
	[bflag:$0x0] =	sbarrier.arrive $0xFFFF;
	s0 =	sadd.s32 s1, s0  }
0x5a: {  	[hbm:s0@s23], [sflag:s3] =	dma.strided [spmem:s9@s24], $0x2000, s19, $0x10   }
.Ltmp2:
0x5b: {  	_ =	swait.ge [sflag:s19], $0x2000;
	(pc) =	sbr.rel @p0 .LBB2_2-.Ltmp2, $3  }
0x5c: {  	[sflag:s19] =	ssyncset.done $0x0  }
0x5d: {  	[sflag:s19] =	ssyncadd.s32 $0xFFFFE000  }
0x5e: {  	[bflag:$0x0] =	sbarrier.arrive $0xFFFF;
	_ =	sdelay $0x1  }
0x5f: {  	s25 =	sadd.s32 $0x1, s25;
	s0 =	rddreg [dreg:$0x5]  }
0x60: {  	p0 =	sne.s32 s25, s0  }
.Ltmp3:
0x61: {  	_ = 	snop;
	(pc) =	sbr.rel @p0 .LBB2_1-.Ltmp3, $1  }
0x62: {  	_ =	sdelay $0x3  }
0x63: {  	_ =	sfence.sel $0x180000  }
0x64: {  	[bflag:$0x0] =	sbarrier.arrive $0xFFFF  }
0x65: {  	_ =	strace $0x90000047  }
0x66: {  	[bflag:$0x2] =	sbarrier.arrive $0xFFFF  }
0x67: {  	p0 =	sne.s32 s4, $0x0;
	s0 =	rddreg [dreg:$0x3]  }
0x68: {  	s0 =	sadd.s32 @!p0 $0x100000, s0  }
0x69: {  	[sflag:s0] =	ssyncadd.tile.s32 @!p0 $0x1;
	_ =	shalt  }
.Lfunc_end2:
_tile_overlayer_lowered:
.L_overlay_start_2:
0x6a: {  	(tag) =	ssettag $0x2  }
0x6b: {  	s0 =	rddreg [dreg:$0x0];
	s2 =	stileid.u32  }
0x6c: {  	s1 =	rddreg [dreg:$0x1];
	p0 =	sne.s32 s2, $0x0  }
0x6d: {  	s3 =	rddreg [dreg:$0x2];
	[bflag:$0x3] =	sbarrier.arrive $0xFFFF;
	s2 =	simm.s32 @!p0 $0x1C01  }
0x6e: {  	[timem:s3], [sflag:s2] =	dma.local @!p0 [hbm:s0], s1  }
0x6f: {  	s0 =	simm.s32 @!p0 $0x1  }
0x70: {  	_ =	swait.ge @!p0 [sflag:s0], s1  }
0x71: {  	s1 =	ssub.s32 @!p0 $0x0, s1;
	[sflag:s0] =	ssyncset.done @!p0 $0x0  }
0x72: {  	[sflag:s0] =	ssyncadd.s32 @!p0 s1  }
0x73: {  	[bflag:$0x3] =	sbarrier.arrive $0xFFFF  }
0x74: {  	_ =	shalt  }

// kernel: sparse-core-data-format-call.cloned.1.call-start
scs
called_computation_lowered:
.L_overlay_start_0:
0x0: {  	s2 =	sld [smem:$0x3FD9]  }
0x1: {  	s3 =	sld [smem:$0x3FFE];
	_ =	sdelay $0x1  }
0x2: {  	s1 =	srdreg.scid  }
0x3: {  	s0 =	sand.u32 $0x1, s1  }
0x4: {  	s18 =	sshll.u32 s0, $0xA;
	s2 =	sadd.s32 s3, s2  }
0x5: {  	s2 =	sadd.s32 s2, s18  }
0x6: {  	[smem:$0x3FC6] =	sst s2  }
0x7: {  	_ = 	snop  }
0x8: {  	s2 =	sld [smem:$0x3FD0];
	(tm) =	ssettm $0x1  }
0x9: {  	s19 =	sld [smem:$0x3FFB];
	_ =	sdelay $0x3  }
0xa: {  	_ =	strace s19  }
0xb: {  	s3 =	sld [smem:$0x3FFC];
	_ =	sdelay $0x3  }
0xc: {  	_ =	strace s3  }
0xd: {  	s3 =	sld [smem:$0x3FFD];
	_ =	sdelay $0x3  }
0xe: {  	_ =	strace s3  }
0xf: {  	_ =	strace $0x8FFFFFFF  }
0x10: {  	s20 =	sld [smem:$0x3FDB];
	_ =	sdelay $0x1  }
0x11: {  	s4 =	simm.s32 $_scs_section_size  }
0x12: {  	s5 =	simm.s32 $_size__tile_overlayer_lowered;
	s6 =	simm.s32 $_tile_overlayer_lowered  }
0x13: {  	s23 =	simm.s32 $0x1BFF;
	s22 =	sshll.u32 s6, $0x1;
	s3 =	sadd.s32 s4, s20  }
0x14: {  	s7 =	simm.s32 $0x0;
	s21 =	sshll.u32 s5, $0x1;
	s5 =	sadd.s32 s22, s3  }
0x15: {  	[timem:s7], [sflag:s23] =	dma.local [hbm:s5], s21  }
0x16: {  	_ =	swait.ge [sflag:s23], s21  }
0x17: {  	s4 =	ssub.s32 $0x0, s21;
	[sflag:s23] =	ssyncset.done $0x0  }
0x18: {  	[sflag:s23] =	ssyncadd.s32 s4;
	_ =	sdelay $0x1  }
0x19: {  	s24 =	simm.s32 $0x1B8B  }
0x1a: {  	_ =	swait.ge [sflag:s24], $0x1  }
0x1b: {  	[sflag:s24] =	ssyncset.done $0x0  }
0x1c: {  	s26 =	simm.s32 $0x1B8E;
	s25 =	sld [smem:$0x3FFE];
	[sflag:s24] =	ssyncadd.s32 $0xFFFFFFFF  }
0x1d: {  	s27 =	simm.s32 $execute0_lowered;
	[smem:$0x3FD2] =	sst s26  }
0x1e: {  	s5 =	sshll.u32 s27, $0x1;
	_ =	strace $0x80000049;
	[dreg:$0x1] =	wrdreg $0xFFFFFFFF  }
0x1f: {  	s28 =	simm.s32 $_size_execute0_lowered;
	s3 =	sadd.s32 s3, s5;
	[dreg:$0x0] =	wrdreg $0x0  }
0x20: {  	s5 =	sshll.u32 s28, $0x1;
	[dreg:$0x2] =	wrdreg s3  }
0x21: {  	[dreg:$0x3] =	wrdreg s5  }
0x22: {  	[dreg:$0x4] =	wrdreg $0xC0  }
0x23: {  	_ =	task [dreg:s7], $0x5FFFF  }
0x24: {  	[dreg:$0x1] =	wrdreg $0xFFFFFFFF  }
0x25: {  	[dreg:$0x0] =	wrdreg $0x60  }
0x26: {  	[dreg:$0x2] =	wrdreg s2  }
0x27: {  	[dreg:$0x3] =	wrdreg s25  }
0x28: {  	[dreg:$0x4] =	wrdreg $0x9  }
0x29: {  	_ =	task.clear_ibuf [dreg:s7], $0x5FFFF;
	_ =	strace $0x90000049  }
0x2a: {  	s29 =	simm.s32 $0x9;
	_ =	strace $0x8000004B  }
0x2b: {  	_ =	swait.ge [sflag:s29], $0x1  }
0x2c: {  	[sflag:s29] =	ssyncadd.s32 $0xFFFFFFFF  }
0x2d: {  	_ =	strace $0x9000004B  }
0x2e: {  	_ =	sfence  }
0x2f: {  	s30 =	sld [smem:$0x0];
	_ =	sdelay $0x2  }
0x30: {  	s31 =	sshll.u32 s1, $0xD;
	s1 =	sshrl.u32 s1, $0x2  }
0x31: {  	s3 =	sand.u32 $0x4000, s31;
	s1 =	sadd.s32 s1, s30  }
0x32: {  	s0 =	sor.u32 s3, s0;
	s1 =	sshll.u32 s1, $0x11  }
0x33: {  	s0 =	sor.u32 s1, s0  }
0x34: {  	s0 =	sadd.s32 $0x8F2B, s0  }
0x35: {  	[sflag:s0] =	ssyncadd.remote.s32 $0x1  }
0x36: {  	_ =	sfence.sel $0xFFFF  }
0x37: {  	[dreg:$0x0] =	wrdreg $0xFFFFFFFF;
	(pc) =	sbr.abs _section_cstart, $3  }
0x38: {  	[dreg:$0x1] =	wrdreg $0xFFFFFFFF  }
0x39: {  	_ =	task.clear_ibuf [dreg:s7], $0x2FFFF;
	_ =	strace $0x9FFFFFFF  }
0x3a: {  	(tm) =	ssettm $0x7FFFFFFF  }
0x3b: {  	_ =	shalt  }
tec
execute0_lowered:
.L_overlay_start_1:
0x0: {  	(tag) =	ssettag $0x1  }
0x1: {  	s0 =	srdreg.scid;
	s2 =	rddreg [dreg:$0x0]  }
0x2: {  	s5 =	rddreg [dreg:$0x1];
	s1 =	sshll.u32 s0, $0x4  }
0x3: {  	s7 =	simm.s32 $0x1;
	s0 =	stileid.u32;
	s1 =	sand.u32 $0x10, s1  }
0x4: {  	s8 =	simm.s32 $0x2;
	s14 =	simm.s32 $0x0;
	s1 =	sor.u32 s0, s1  }
0x5: {  	s9 =	simm.s32 $0x0;
	s15 =	simm.s32 $0x0;
	s3 =	sshll.u32 s1, $0x3  }
0x6: {  	s16 =	simm.s32 $0x0;
	s10 =	simm.s32 $0x0;
	s6 =	ssub.s32 $0x800, s3  }
0x7: {  	s11 =	simm.s32 $0x0;
	s13 =	simm.s32 $0x0;
	s4 =	sand.u32 $0xF8, s6  }
.Ltmp0:
0x8: {  	s5 =	sadd.s32 $0xE00, s5;
	p0 =	sne.s32 s4, $0x0;
	(pc) =	sbr.rel .LBB1_1-.Ltmp0, $4  }
0x9: {  	s1 =	rddreg [dreg:$0x2];
	s6 =	sshrl.u32 s6, $0x8;
	s7 =	simm.s32 @!p0 $0x0  }
0xa: {  	_ =	strace $0x8000004A;
	s4 =	simm.s32 $0x1;
	s6 =	sadd.s32 s7, s6  }
0xb: {  	s12 =	smov.u32 s3;
	[sflag:s4] =	ssyncpa.u1 $0x0;
	s6 =	sshll.u32 s6, $0x2  }
0xc: {  	[sflag:s8] =	ssyncpa.u1 $0x0;
	s8 =	simm.s32 $0x400000;
	s7 =	sor.u32 $0x1, s6  }
.LBB1_7:
0xd: {  	s17 =	sadd.s32 $0x200, s10  }
0xe: {  	s14 =	sadd.s32 $0x4, s11;
	s18 =	smov.u32 s11;
	p1 =	sgt.s32 s17, $0x7FF  }
0xf: {  	s18 =	smov.u32 @p1 s14  }
0x10: {  	s20 =	smov.u32 s12;
	s14 =	sadd.s32 $0x100, s12;
	p2 =	sgt.s32 s18, $0x3  }
0x11: {  	s20 =	smov.u32 @p2 s14  }
0x12: {  	s17 =	simm.s32 @p1 $0x0;
	p1 =	sgt.s32 s20, $0x7FF  }
0x13: {  	p0 =	slt.u32 s13, $0x2;
	s20 =	smov.u32 @p1 s3;
	p1 =	sne.s32 s13, s7  }
.Ltmp1:
0x14: {  	s19 =	simm.s32 @!p0 $0x2;
	(pc) =	sbr.rel @!p1 .LBB1_8-.Ltmp1, $4  }
0x15: {  	s15 =	smov.u32 s11;
	s16 =	smov.u32 s12;
	_ =	swait.ge @!p0 [sflag:s19], $0x4000  }
0x16: {  	s9 =	sadd.s32 $0x4000, s9;
	[sflag:s19] =	ssyncset.done @!p0 $0x0;
	s18 =	simm.s32 @p2 $0x0  }
0x17: {  	s14 =	smov.u32 s10;
	[sflag:s19] =	ssyncadd.s32 @!p0 $0xFFFFC000;
	s10 =	smov.u32 s17  }
0x18: {  	s11 =	smov.u32 s18;
	s13 =	sadd.s32 $0x1, s13;
	s12 =	smov.u32 s20  }
.LBB1_1:
0x19: {  	p0 =	sge.u32 s13, s6  }
0x1a: {  	s17 =	sshll.u32 @!p0 s11, $0x7  }
0x1b: {  	s18 =	sand.u32 @!p0 $0x78, s10;
	s19 =	sshll.u32 @!p0 s10, $0x2;
	s17 =	sand.u32 @!p0 $0x180, s17  }
0x1c: {  	s31 =	sadd.s32 $0xFFFFFFFF, s13;
	s19 =	sand.u32 @!p0 $0x600, s19;
	s17 =	sor.u32 @!p0 s17, s18  }
0x1d: {  	s18 =	sshll.u32 @!p0 s12, $0xA;
	s17 =	sor.u32 @!p0 s19, s17;
	s19 =	sshrl.u32 @!p0 s10, $0x1  }
0x1e: {  	s20 =	sxor.u32 @!p0 $0xFFFFFFFF, s13;
	s18 =	sadd.s32 @!p0 s2, s18;
	s19 =	sand.u32 @!p0 $0x300, s19  }
0x1f: {  	s20 =	sshll.u32 @!p0 s20, $0xE;
	s18 =	sadd.s32 @!p0 s19, s18;
	s19 =	sand.u32 @!p0 $0x7, s10  }
0x20: {  	s20 =	sand.u32 @!p0 $0x4000, s20;
	s17 =	sshrl.u32 @!p0 s17, $0x3;
	s19 =	sshll.u32 @!p0 s19, $0x12  }
0x21: {  	s17 =	sadd.s32 @!p0 s17, s18;
	s18 =	sor.u32 @!p0 $0x800, s19;
	s19 =	simm.s32 @!p0 $0x2000  }
0x22: {  	[tilespmem:s20], [sflag:$0x1] =	stream.strided.gather @!p0 [hbm4b:s17+s18], $0x4000, s19, s18, $0x38;
	[tilespmem:$0x10000] =	vst v63  }
0x23: {  	p0 =	sge.u32 s31, s6  }
.Ltmp2:
0x24: {  	_ = 	snop;
	(pc) =	sbr.rel @p0 .LBB1_7-.Ltmp2, $1  }
0x25: {  	_ =	sdelay $0x3  }
0x26: {  	s17 =	sshll.u32 s9, $0x2;
	_ =	swait.ge [sflag:s4], $0x4000;
	s31 =	sshll.u32 s13, $0xE  }
0x27: {  	s21 =	simm.s32 $0x0;
	s22 =	simm.s32 $0x0;
	s17 =	sand.u32 $0x10000, s17  }
0x28: {  	s23 =	simm.s32 $0x0;
	[sflag:s4] =	ssyncset.done $0x0;
	s20 =	sshrl.u32 s17, $0x2  }
0x29: {  	s17 =	sand.u32 $0x4000, s31;
	[sflag:s4] =	ssyncadd.s32 $0xFFFFC000;
	s18 =	sor.u32 $0x400, s20  }
0x2a: {  	s19 =	sor.u32 $0x8000, s20;
	s17 =	sor.u32 $0x8000, s17;
	s20 =	sadd.s32 $0x8C00, s20  }
.LBB1_3:
0x2b: {  	v0 =	vmov s19;
	v1 =	vld [tilespmem:s18+$0x270]  }
0x2c: {  	v2 =	vld [tilespmem:s18+$0xFFFFFC10]  }
0x2d: {  	v3 =	vld [tilespmem:s18+$0xFFFFFC20]  }
0x2e: {  	s24 =	sshll.u32 s22, $0x2;
	s25 =	sand.u32 $0x3, s21;
	v4 =	vld [tilespmem:s18+$0xFFFFFC30]  }
0x2f: {  	v5 =	vld [tilespmem:s18+$0xFFFFFC40];
	s26 =	sand.u32 $0xFFFFF800, s24;
	s25 =	sshll.u32 s25, $0x9;
	s24 =	simm.s32 $0x0  }
0x30: {  	v6 =	vld [tilespmem:s18+$0xFFFFFC50];
	s25 =	sor.u32 s25, s26;
	[tilespmem:v0+s24+$0xC70 ss:$0x1] =	vst.idx.msk $0xffff, v1  }
0x31: {  	v7 =	vld [tilespmem:s18+$0x220];
	s25 =	sshrl.u32 s25, $0x2;
	[tilespmem:v0+s24+$0x10 ss:$0x1] =	vst.idx.msk $0xffff, v2  }
0x32: {  	v8 =	vld [tilespmem:s18+$0x230];
	s25 =	sadd.s32 s25, s20;
	[tilespmem:v0+s24+$0x20 ss:$0x1] =	vst.idx.msk $0xffff, v3  }
0x33: {  	v1 =	vmov s25;
	[tilespmem:v0+s24+$0x30 ss:$0x1] =	vst.idx.msk $0xffff, v4;
	v4 =	vld [tilespmem:s18+$0xFFFFFE00]  }
0x34: {  	[tilespmem:v0+s24+$0x40 ss:$0x1] =	vst.idx.msk $0xffff, v5;
	v5 =	vld [tilespmem:s18+$0xFFFFFE10]  }
0x35: {  	[tilespmem:v0+s24+$0x50 ss:$0x1] =	vst.idx.msk $0xffff, v6;
	v6 =	vld [tilespmem:s18+$0xFFFFFE20]  }
0x36: {  	v2 =	vld [tilespmem:s18+$0xFFFFFC60];
	[tilespmem:v0+s24+$0xC20 ss:$0x1] =	vst.idx.msk $0xffff, v7  }
0x37: {  	v3 =	vld [tilespmem:s18+$0xFFFFFC70];
	[tilespmem:v0+s24+$0xC30 ss:$0x1] =	vst.idx.msk $0xffff, v8  }
0x38: {  	[tilespmem:v1+s24+$0xFFFFF800 ss:$0x1] =	vst.idx.msk $0xffff, v4;
	v4 =	vld [tilespmem:s18+$0xFFFFFE50]  }
0x39: {  	[tilespmem:v0+s24+$0x410 ss:$0x1] =	vst.idx.msk $0xffff, v5;
	v5 =	vld [tilespmem:s18+$0xFFFFFE60]  }
0x3a: {  	[tilespmem:v0+s24+$0x420 ss:$0x1] =	vst.idx.msk $0xffff, v6;
	v6 =	vld [tilespmem:s18+$0xFFFFFE70]  }
0x3b: {  	[tilespmem:v0+s24+$0x60 ss:$0x1] =	vst.idx.msk $0xffff, v2;
	v2 =	vld [tilespmem:s18+$0xFFFFFE30]  }
0x3c: {  	[tilespmem:v0+s24+$0x70 ss:$0x1] =	vst.idx.msk $0xffff, v3;
	v3 =	vld [tilespmem:s18+$0xFFFFFE40]  }
0x3d: {  	[tilespmem:v0+s24+$0x450 ss:$0x1] =	vst.idx.msk $0xffff, v4;
	v4 =	vld [tilespmem:s18+$0x20]  }
0x3e: {  	[tilespmem:v0+s24+$0x460 ss:$0x1] =	vst.idx.msk $0xffff, v5;
	v5 =	vld [tilespmem:s18+$0x30]  }
0x3f: {  	[tilespmem:v0+s24+$0x470 ss:$0x1] =	vst.idx.msk $0xffff, v6;
	v6 =	vld [tilespmem:s18+$0x40]  }
0x40: {  	[tilespmem:v0+s24+$0x430 ss:$0x1] =	vst.idx.msk $0xffff, v2;
	v2 =	vld [tilespmem:s18+$0x0]  }
0x41: {  	[tilespmem:v0+s24+$0x440 ss:$0x1] =	vst.idx.msk $0xffff, v3;
	v3 =	vld [tilespmem:s18+$0x10]  }
0x42: {  	[tilespmem:v0+s24+$0x820 ss:$0x1] =	vst.idx.msk $0xffff, v4;
	v4 =	vld [tilespmem:s18+$0x70]  }
0x43: {  	[tilespmem:v0+s24+$0x830 ss:$0x1] =	vst.idx.msk $0xffff, v5;
	v5 =	vld [tilespmem:s18+$0x200]  }
0x44: {  	[tilespmem:v0+s24+$0x840 ss:$0x1] =	vst.idx.msk $0xffff, v6;
	v6 =	vld [tilespmem:s18+$0x210]  }
0x45: {  	[tilespmem:v1+s24+$0xFFFFFC00 ss:$0x1] =	vst.idx.msk $0xffff, v2;
	v2 =	vld [tilespmem:s18+$0x50]  }
0x46: {  	[tilespmem:v0+s24+$0x810 ss:$0x1] =	vst.idx.msk $0xffff, v3;
	v3 =	vld [tilespmem:s18+$0x60]  }
0x47: {  	[tilespmem:v0+s24+$0x870 ss:$0x1] =	vst.idx.msk $0xffff, v4;
	v4 =	vld [tilespmem:s18+$0x240]  }
0x48: {  	[tilespmem:v1+s24+$0x0 ss:$0x1] =	vst.idx.msk $0xffff, v5;
	v5 =	vld [tilespmem:s18+$0x250]  }
0x49: {  	[tilespmem:v0+s24+$0xC10 ss:$0x1] =	vst.idx.msk $0xffff, v6;
	v6 =	vld [tilespmem:s18+$0x260]  }
0x4a: {  	s25 =	sadd.s32 $0x80, s18;
	[tilespmem:v0+s24+$0x850 ss:$0x1] =	vst.idx.msk $0xffff, v2;
	v2 =	vld [tilespmem:s18+$0xFFFFFC00]  }
0x4b: {  	s27 =	simm.s32 $0x8000;
	s26 =	simm.s32 $0x4000;
	[tilespmem:v0+s24+$0x860 ss:$0x1] =	vst.idx.msk $0xffff, v3;
	v3 =	vld [tilespmem:s25+$0x270]  }
.LBB1_4:
0x4c: {  	p0 =	sne.s32 s27, $0xC000;
	v7 =	vld [tilespmem:s25+$0xFFFFFC10];
	[tilespmem:v0+s24+$0xC40 ss:$0x1] =	vst.idx.msk $0xffff, v4  }
0x4d: {  	v4 =	vld [tilespmem:s25+$0xFFFFFC20];
	[tilespmem:v0+s24+$0xC50 ss:$0x1] =	vst.idx.msk $0xffff, v5  }
0x4e: {  	v5 =	vld [tilespmem:s25+$0xFFFFFC30];
	[tilespmem:v0+s24+$0xC60 ss:$0x1] =	vst.idx.msk $0xffff, v6  }
0x4f: {  	v6 =	vld [tilespmem:s25+$0xFFFFFC40];
	[tilespmem:v0+s24+$0x0 ss:$0x1] =	vst.idx.msk $0xffff, v2;
	s24 =	sshra.s32 s26, $0x2;
	s26 =	smov.u32 s27  }
0x50: {  	v2 =	vld [tilespmem:s25+$0xFFFFFC50];
	[tilespmem:v0+s24+$0xC70 ss:$0x1] =	vst.idx.msk $0xffff, v3  }
0x51: {  	[tilespmem:v0+s24+$0x10 ss:$0x1] =	vst.idx.msk $0xffff, v7;
	v3 =	vld [tilespmem:s25+$0xFFFFFC60]  }
0x52: {  	[tilespmem:v0+s24+$0x20 ss:$0x1] =	vst.idx.msk $0xffff, v4;
	v4 =	vld [tilespmem:s25+$0xFFFFFC70]  }
0x53: {  	[tilespmem:v0+s24+$0x30 ss:$0x1] =	vst.idx.msk $0xffff, v5;
	v5 =	vld [tilespmem:s25+$0xFFFFFE00]  }
0x54: {  	[tilespmem:v0+s24+$0x40 ss:$0x1] =	vst.idx.msk $0xffff, v6;
	v6 =	vld [tilespmem:s25+$0xFFFFFE10]  }
0x55: {  	[tilespmem:v0+s24+$0x50 ss:$0x1] =	vst.idx.msk $0xffff, v2;
	v2 =	vld [tilespmem:s25+$0xFFFFFE20]  }
0x56: {  	[tilespmem:v0+s24+$0x60 ss:$0x1] =	vst.idx.msk $0xffff, v3;
	v3 =	vld [tilespmem:s25+$0xFFFFFE30]  }
0x57: {  	[tilespmem:v0+s24+$0x70 ss:$0x1] =	vst.idx.msk $0xffff, v4;
	v4 =	vld [tilespmem:s25+$0xFFFFFE40]  }
0x58: {  	[tilespmem:v1+s24+$0xFFFFF800 ss:$0x1] =	vst.idx.msk $0xffff, v5;
	v5 =	vld [tilespmem:s25+$0xFFFFFE50]  }
0x59: {  	[tilespmem:v0+s24+$0x410 ss:$0x1] =	vst.idx.msk $0xffff, v6;
	v6 =	vld [tilespmem:s25+$0xFFFFFE60]  }
0x5a: {  	[tilespmem:v0+s24+$0x420 ss:$0x1] =	vst.idx.msk $0xffff, v2;
	v2 =	vld [tilespmem:s25+$0xFFFFFE70]  }
0x5b: {  	[tilespmem:v0+s24+$0x430 ss:$0x1] =	vst.idx.msk $0xffff, v3;
	v3 =	vld [tilespmem:s25+$0x0]  }
0x5c: {  	[tilespmem:v0+s24+$0x440 ss:$0x1] =	vst.idx.msk $0xffff, v4;
	v4 =	vld [tilespmem:s25+$0x10]  }
0x5d: {  	[tilespmem:v0+s24+$0x450 ss:$0x1] =	vst.idx.msk $0xffff, v5;
	v5 =	vld [tilespmem:s25+$0x20]  }
0x5e: {  	[tilespmem:v0+s24+$0x460 ss:$0x1] =	vst.idx.msk $0xffff, v6;
	v6 =	vld [tilespmem:s25+$0x30]  }
0x5f: {  	[tilespmem:v0+s24+$0x470 ss:$0x1] =	vst.idx.msk $0xffff, v2;
	v2 =	vld [tilespmem:s25+$0x40]  }
0x60: {  	[tilespmem:v1+s24+$0xFFFFFC00 ss:$0x1] =	vst.idx.msk $0xffff, v3;
	v3 =	vld [tilespmem:s25+$0x50]  }
0x61: {  	[tilespmem:v0+s24+$0x810 ss:$0x1] =	vst.idx.msk $0xffff, v4;
	v4 =	vld [tilespmem:s25+$0x60]  }
0x62: {  	[tilespmem:v0+s24+$0x820 ss:$0x1] =	vst.idx.msk $0xffff, v5;
	v5 =	vld [tilespmem:s25+$0x70]  }
0x63: {  	[tilespmem:v0+s24+$0x830 ss:$0x1] =	vst.idx.msk $0xffff, v6;
	v6 =	vld [tilespmem:s25+$0x200]  }
0x64: {  	[tilespmem:v0+s24+$0x840 ss:$0x1] =	vst.idx.msk $0xffff, v2;
	v2 =	vld [tilespmem:s25+$0x210]  }
0x65: {  	[tilespmem:v0+s24+$0x850 ss:$0x1] =	vst.idx.msk $0xffff, v3;
	v3 =	vld [tilespmem:s25+$0x220]  }
0x66: {  	[tilespmem:v0+s24+$0x860 ss:$0x1] =	vst.idx.msk $0xffff, v4;
	v7 =	vld [tilespmem:s25+$0x230]  }
.Ltmp3:
0x67: {  	[tilespmem:v0+s24+$0x870 ss:$0x1] =	vst.idx.msk $0xffff, v5;
	v4 =	vld [tilespmem:s25+$0x240];
	(pc) =	sbr.rel @p0 .LBB1_4-.Ltmp3, $4  }
0x68: {  	[tilespmem:v1+s24+$0x0 ss:$0x1] =	vst.idx.msk $0xffff, v6;
	v5 =	vld [tilespmem:s25+$0x250]  }
0x69: {  	[tilespmem:v0+s24+$0xC10 ss:$0x1] =	vst.idx.msk $0xffff, v2;
	v6 =	vld [tilespmem:s25+$0x260]  }
0x6a: {  	v2 =	vld [tilespmem:s25+$0xFFFFFC00];
	[tilespmem:v0+s24+$0xC20 ss:$0x1] =	vst.idx.msk $0xffff, v3;
	s25 =	sadd.s32 $0x80, s25  }
0x6b: {  	s27 =	sadd.s32 $0x4000, s27;
	v3 =	vld [tilespmem:s25+$0x270];
	[tilespmem:v0+s24+$0xC30 ss:$0x1] =	vst.idx.msk $0xffff, v7  }
0x6c: {  	_ =	sdelay $0x3  }
0x6d: {  	v7 =	vld [tilespmem:s25+$0xFFFFFC10];
	[tilespmem:v0+s24+$0xC40 ss:$0x1] =	vst.idx.msk $0xffff, v4  }
0x6e: {  	v34 =	vld [tilespmem:s25+$0xFFFFFC20];
	[tilespmem:v0+s24+$0xC50 ss:$0x1] =	vst.idx.msk $0xffff, v5  }
0x6f: {  	v35 =	vld [tilespmem:s25+$0xFFFFFC30];
	[tilespmem:v0+s24+$0xC60 ss:$0x1] =	vst.idx.msk $0xffff, v6  }
0x70: {  	s26 =	sshra.s32 s26, $0x2;
	v36 =	vld [tilespmem:s25+$0xFFFFFC40];
	[tilespmem:v0+s24+$0x0 ss:$0x1] =	vst.idx.msk $0xffff, v2  }
0x71: {  	v37 =	vld [tilespmem:s25+$0xFFFFFC50];
	[tilespmem:v0+s26+$0xC70 ss:$0x1] =	vst.idx.msk $0xffff, v3  }
0x72: {  	v38 =	vld [tilespmem:s25+$0xFFFFFC60];
	[tilespmem:v0+s26+$0x10 ss:$0x1] =	vst.idx.msk $0xffff, v7  }
0x73: {  	v39 =	vld [tilespmem:s25+$0xFFFFFC70];
	[tilespmem:v0+s26+$0x20 ss:$0x1] =	vst.idx.msk $0xffff, v34  }
0x74: {  	v40 =	vld [tilespmem:s25+$0xFFFFFE00];
	[tilespmem:v0+s26+$0x30 ss:$0x1] =	vst.idx.msk $0xffff, v35  }
0x75: {  	v41 =	vld [tilespmem:s25+$0xFFFFFE10];
	[tilespmem:v0+s26+$0x40 ss:$0x1] =	vst.idx.msk $0xffff, v36  }
0x76: {  	v42 =	vld [tilespmem:s25+$0xFFFFFE20];
	[tilespmem:v0+s26+$0x50 ss:$0x1] =	vst.idx.msk $0xffff, v37  }
0x77: {  	v43 =	vld [tilespmem:s25+$0xFFFFFE30];
	[tilespmem:v0+s26+$0x60 ss:$0x1] =	vst.idx.msk $0xffff, v38  }
0x78: {  	v44 =	vld [tilespmem:s25+$0xFFFFFE40];
	[tilespmem:v0+s26+$0x70 ss:$0x1] =	vst.idx.msk $0xffff, v39  }
0x79: {  	v45 =	vld [tilespmem:s25+$0xFFFFFE50];
	[tilespmem:v1+s26+$0xFFFFF800 ss:$0x1] =	vst.idx.msk $0xffff, v40  }
0x7a: {  	v46 =	vld [tilespmem:s25+$0xFFFFFE60];
	[tilespmem:v0+s26+$0x410 ss:$0x1] =	vst.idx.msk $0xffff, v41  }
0x7b: {  	v47 =	vld [tilespmem:s25+$0xFFFFFE70];
	[tilespmem:v0+s26+$0x420 ss:$0x1] =	vst.idx.msk $0xffff, v42  }
0x7c: {  	v48 =	vld [tilespmem:s25+$0x0];
	[tilespmem:v0+s26+$0x430 ss:$0x1] =	vst.idx.msk $0xffff, v43  }
0x7d: {  	v49 =	vld [tilespmem:s25+$0x10];
	[tilespmem:v0+s26+$0x440 ss:$0x1] =	vst.idx.msk $0xffff, v44  }
0x7e: {  	v50 =	vld [tilespmem:s25+$0x20];
	[tilespmem:v0+s26+$0x450 ss:$0x1] =	vst.idx.msk $0xffff, v45  }
0x7f: {  	v51 =	vld [tilespmem:s25+$0x30];
	[tilespmem:v0+s26+$0x460 ss:$0x1] =	vst.idx.msk $0xffff, v46  }
0x80: {  	v52 =	vld [tilespmem:s25+$0x40];
	[tilespmem:v0+s26+$0x470 ss:$0x1] =	vst.idx.msk $0xffff, v47  }
0x81: {  	v53 =	vld [tilespmem:s25+$0x50];
	[tilespmem:v1+s26+$0xFFFFFC00 ss:$0x1] =	vst.idx.msk $0xffff, v48  }
0x82: {  	v54 =	vld [tilespmem:s25+$0x60];
	[tilespmem:v0+s26+$0x810 ss:$0x1] =	vst.idx.msk $0xffff, v49  }
0x83: {  	v55 =	vld [tilespmem:s25+$0x70];
	[tilespmem:v0+s26+$0x820 ss:$0x1] =	vst.idx.msk $0xffff, v50  }
0x84: {  	v56 =	vld [tilespmem:s25+$0x200];
	[tilespmem:v0+s26+$0x830 ss:$0x1] =	vst.idx.msk $0xffff, v51  }
0x85: {  	v57 =	vld [tilespmem:s25+$0x210];
	[tilespmem:v0+s26+$0x840 ss:$0x1] =	vst.idx.msk $0xffff, v52  }
0x86: {  	v58 =	vld [tilespmem:s25+$0x220];
	[tilespmem:v0+s26+$0x850 ss:$0x1] =	vst.idx.msk $0xffff, v53  }
0x87: {  	v59 =	vld [tilespmem:s25+$0x230];
	[tilespmem:v0+s26+$0x860 ss:$0x1] =	vst.idx.msk $0xffff, v54  }
0x88: {  	v60 =	vld [tilespmem:s25+$0x240];
	[tilespmem:v0+s26+$0x870 ss:$0x1] =	vst.idx.msk $0xffff, v55  }
0x89: {  	v61 =	vld [tilespmem:s25+$0x250];
	[tilespmem:v1+s26+$0x0 ss:$0x1] =	vst.idx.msk $0xffff, v56  }
0x8a: {  	v62 =	vld [tilespmem:s25+$0x260];
	s23 =	sadd.s32 $0x1, s23;
	[tilespmem:v0+s26+$0xC10 ss:$0x1] =	vst.idx.msk $0xffff, v57  }
0x8b: {  	v63 =	vld [tilespmem:s25+$0xFFFFFC00];
	p0 =	sne.s32 s23, $0x8;
	[tilespmem:v0+s26+$0xC20 ss:$0x1] =	vst.idx.msk $0xffff, v58  }
.Ltmp4:
0x8c: {  	[tilespmem:v0+s26+$0xC30 ss:$0x1] =	vst.idx.msk $0xffff, v59;
	(pc) =	sbr.rel @p0 .LBB1_3-.Ltmp4, $4  }
0x8d: {  	[tilespmem:v0+s26+$0xC40 ss:$0x1] =	vst.idx.msk $0xffff, v60  }
0x8e: {  	[tilespmem:v0+s26+$0xC50 ss:$0x1] =	vst.idx.msk $0xffff, v61  }
0x8f: {  	s18 =	sadd.s32 $0x800, s18;
	[tilespmem:v0+s26+$0xC60 ss:$0x1] =	vst.idx.msk $0xffff, v62  }
0x90: {  	s22 =	sadd.s32 $0x80, s22;
	s21 =	sadd.s32 $0x1, s21;
	s19 =	sadd.s32 $0x80, s19;
	[tilespmem:v0+s26+$0x0 ss:$0x1] =	vst.idx.msk $0xffff, v63  }
0x91: {  	s18 =	sand.u32 $0x78, s14  }
0x92: {  	s19 =	sshll.u32 s16, $0xB;
	s29 =	sshll.u32 s16, $0x7;
	s20 =	sshll.u32 s14, $0x3  }
0x93: {  	s15 =	sshll.u32 s15, $0x13;
	s31 =	sand.u32 $0x7, s14;
	s19 =	sand.u32 $0x3FC000, s19  }
0x94: {  	s16 =	sand.u32 $0x380, s29;
	s19 =	sadd.s32 s19, s20;
	s20 =	sand.u32 $0x400, s20  }
.Ltmp5:
0x95: {  	s16 =	sor.u32 s16, s18;
	s30 =	sshrl.u32 s19, $0x3;
	(pc) =	sbr.rel .LBB1_7-.Ltmp5, $4  }
0x96: {  	s15 =	sadd.s32 s5, s15;
	s16 =	sor.u32 s20, s16;
	s18 =	sand.u32 $0x7FF00, s30  }
0x97: {  	s14 =	sshll.u32 s31, $0x12;
	s16 =	sshrl.u32 s16, $0x3;
	s15 =	sadd.s32 s18, s15  }
0x98: {  	s14 =	sor.u32 $0x1000, s14;
	s15 =	sadd.s32 s16, s15  }
0x99: {  	[hbm4b:s15+s14] =	stream.strided.scatter [tilespmem:s17], [sflag:$0x2], $0x4000, s8, s14, $0x38;
	[tilespmem:$0x10000] =	vst v63  }
.LBB1_8:
0x9a: {  	_ =	sfence.sel $0x180000  }
0x9b: {  	s2 =	simm.s32 $0x1;
	[bflag:$0x0] =	sbarrier.arrive $0xFFFF  }
0x9c: {  	s31 =	simm.s32 $0x2;
	[sflag:s2] =	ssyncpa.u1 $0x1  }
0x9d: {  	[sflag:s31] =	ssyncpa.u1 $0x1  }
0x9e: {  	p0 =	sne.s32 s0, $0x0;
	_ =	strace $0x9000004A  }
0x9f: {  	s0 =	sadd.s32 @!p0 $0x100000, s1;
	[bflag:$0x2] =	sbarrier.arrive $0xFFFF  }
0xa0: {  	[sflag:s0] =	ssyncadd.tile.s32 @!p0 $0x1;
	_ =	shalt  }
.Lfunc_end1:
_tile_overlayer_lowered:
.L_overlay_start_2:
0xa1: {  	(tag) =	ssettag $0x2  }
0xa2: {  	s0 =	rddreg [dreg:$0x0];
	s2 =	stileid.u32  }
0xa3: {  	s1 =	rddreg [dreg:$0x1];
	p0 =	sne.s32 s2, $0x0  }
0xa4: {  	s3 =	rddreg [dreg:$0x2];
	[bflag:$0x3] =	sbarrier.arrive $0xFFFF;
	s2 =	simm.s32 @!p0 $0x1C01  }
0xa5: {  	[timem:s3], [sflag:s2] =	dma.local @!p0 [hbm:s0], s1  }
0xa6: {  	s0 =	simm.s32 @!p0 $0x1  }
0xa7: {  	_ =	swait.ge @!p0 [sflag:s0], s1  }
0xa8: {  	s1 =	ssub.s32 @!p0 $0x0, s1;
	[sflag:s0] =	ssyncset.done @!p0 $0x0  }
0xa9: {  	[sflag:s0] =	ssyncadd.s32 @!p0 s1  }
0xaa: {  	[bflag:$0x3] =	sbarrier.arrive $0xFFFF  }
0xab: {  	_ =	shalt  }

</sc_bundles>
